<compile_context>
chip_gen: v7x
topology: tpu7x:2x2x1
jax: 0.10.2.dev20260603
libtpu: 0.0.44.dev20260713+nightly
codegen_flags: <defaults>
</compile_context>

<pallas_src>
import functools

import jax
import jax.numpy as jnp
from jax import lax
from jax.experimental import pallas as pl
from jax.experimental.pallas import tpu as pltpu
from jax.experimental.pallas import tpu_sc as plsc

_BLK = 2048
_NSUB = 16
_K = 10



def _scores_body(x_ref, w_ref, o_ref):
    xb = x_ref[...].astype(jnp.bfloat16).astype(jnp.float32)
    w = w_ref[...].astype(jnp.bfloat16).astype(jnp.float32)
    acc = xb[:, 0:128] * w[:, 0:128]
    for k in range(1, 4):
        acc += xb[:, k * 128:(k + 1) * 128] * w[:, k * 128:(k + 1) * 128]
    acc_t = jnp.transpose(acc, (1, 0))
    o_ref[...] = jnp.sum(acc_t, axis=0)


def _compute_scores(x2d, wrow, n, d, npad):
    grid = npad // _BLK
    return pl.pallas_call(
        _scores_body,
        grid=(grid,),
        in_specs=[
            pl.BlockSpec((_BLK, d), lambda i: (i, 0)),
            pl.BlockSpec((1, d), lambda i: (0, 0)),
        ],
        out_specs=pl.BlockSpec((_BLK,), lambda i: (i,)),
        out_shape=jax.ShapeDtypeStruct((npad,), jnp.float32),
    )(x2d, wrow)



def _merge_sorted(rv_vals, rv_idx, sv, si):
    fv = lax.rev(sv, (0,))
    fi = lax.rev(si, (0,))
    keep = rv_vals <= fv
    nv = jnp.where(keep, rv_vals, fv)
    ni = jnp.where(keep, rv_idx, fi)
    sv2, si2 = plsc.sort_key_val(nv, ni)
    return sv2, si2


_SC_PARAMS = dict()


def _select_and_gather(scores, x2d, n_valid):
    npad = scores.shape[0]
    d = x2d.shape[1]
    mesh = plsc.VectorSubcoreMesh(core_axis_name="c", subcore_axis_name="s")
    nworkers = mesh.num_cores * mesh.num_subcores
    chunk = npad // nworkers
    nvreg = chunk // 16
    cparams = pltpu.CompilerParams(needs_layout_passes=False)

    @functools.partial(
        pl.kernel,
        out_type=(
            jax.ShapeDtypeStruct((nworkers, 16), jnp.float32),
            jax.ShapeDtypeStruct((nworkers, 16), jnp.int32),
        ),
        mesh=mesh,
        compiler_params=cparams,
        scratch_types=[
            pltpu.VMEM((chunk,), jnp.float32),
            pltpu.VMEM((16,), jnp.float32),
            pltpu.VMEM((16,), jnp.int32),
        ],
    )
    def sc_local(scores_hbm, vals_out, idx_out, chunk_v, cand_v, candi_v):
        w = lax.axis_index("s") * mesh.num_cores + lax.axis_index("c")
        base = w * chunk
        pltpu.sync_copy(scores_hbm.at[pl.ds(base, chunk)], chunk_v)

        inf = jnp.float32(jnp.inf)
        lane = lax.iota(jnp.int32, 16)
        r0 = jnp.full((16,), inf, jnp.float32)
        ri0 = jnp.zeros((16,), jnp.int32)

        def body(i, carry):
            rv, ri = carry
            v = chunk_v[pl.ds(i * 16, 16)]
            gi = base + i * 16 + lane
            v = jnp.where(gi < n_valid, v, inf)
            sv, si = plsc.sort_key_val(v, gi)
            return _merge_sorted(rv, ri, sv, si)

        rv, ri = lax.fori_loop(0, nvreg, body, (r0, ri0))

        cand_v[...] = rv
        candi_v[...] = ri
        pltpu.sync_copy(cand_v, vals_out.at[w])
        pltpu.sync_copy(candi_v, idx_out.at[w])

    cand_vals, cand_idx = sc_local(scores)

    @functools.partial(
        pl.kernel,
        out_type=(
            jax.ShapeDtypeStruct((16, d), jnp.float32),
            jax.ShapeDtypeStruct((16,), jnp.int32),
        ),
        mesh=mesh,
        compiler_params=cparams,
        scratch_types=[
            pltpu.VMEM((nworkers, 16), jnp.float32),
            pltpu.VMEM((nworkers, 16), jnp.int32),
            pltpu.VMEM((16,), jnp.int32),
            pltpu.VMEM((16, d), jnp.float32),
            pltpu.SemaphoreType.DMA,
        ],
    )
    def sc_merge(vals_hbm, idx_hbm, x_hbm, rows_out, idx_out,
                 all_v, alli_v, idx_v, rows_v, sem):
        w = lax.axis_index("s") * mesh.num_cores + lax.axis_index("c")

        @pl.when(w == 0)
        def _():
            pltpu.sync_copy(vals_hbm, all_v)
            pltpu.sync_copy(idx_hbm, alli_v)
            mv = all_v[0]
            mi = alli_v[0]
            for j in range(1, nworkers):
                mv, mi = _merge_sorted(mv, mi, all_v[j], alli_v[j])
            idx_v[...] = mi
            pltpu.sync_copy(idx_v, idx_out)
            pltpu.async_copy(x_hbm.at[idx_v], rows_v, sem).wait()
            pltpu.sync_copy(rows_v, rows_out)

    return sc_merge(cand_vals, cand_idx, x2d)



def _rnn_body(rows_ref, w1_ref, b1_ref, w2_ref, b2_ref, w3_ref, b3_ref,
              o_ref):
    bf = jnp.bfloat16
    rows = rows_ref[...].astype(bf)
    w1 = w1_ref[...].astype(bf)
    w2 = w2_ref[...].astype(bf)
    w3 = w3_ref[...].astype(bf)
    iproj = jnp.dot(rows, w1,
                    preferred_element_type=jnp.float32) + b1_ref[...]
    state = jnp.zeros((1, 128), jnp.float32)
    for s in range(_K):
        st = jnp.dot(state.astype(bf), w2,
                     preferred_element_type=jnp.float32) + b2_ref[...]
        state = jnp.maximum(st + iproj[s:s + 1, :], 0.0)
    o_ref[...] = jnp.dot(state.astype(bf), w3,
                         preferred_element_type=jnp.float32) + b3_ref[...]


def _rnn_decode(rows, w1, b1, w2, b2, w3p, b3p):
    return pl.pallas_call(
        _rnn_body,
        out_shape=jax.ShapeDtypeStruct((1, 128), jnp.float32),
    )(rows, w1, b1, w2, b2, w3p, b3p)



def kernel(x, W_score, b_score, W1, b1, W2, b2, W3, b3):
    del b_score
    n = x.shape[1]
    d = x.shape[2]
    x2d = x.reshape(n, d)
    wrow = W_score.reshape(1, d)
    npad = pl.cdiv(n, _BLK) * _BLK

    scores = _compute_scores(x2d, wrow, n, d, npad)
    rows, _top_idx = _select_and_gather(scores, x2d, n)

    h = W2.shape[0]
    w3p = jnp.zeros((h, 128), jnp.float32).at[:, :W3.shape[1]].set(W3)
    b3p = jnp.zeros((1, 128), jnp.float32).at[0, :b3.shape[0]].set(b3)
    out = _rnn_decode(rows, W1, b1.reshape(1, h), W2, b2.reshape(1, h),
                      w3p, b3p)
    return out[:, :W3.shape[1]]

# --- scband reference (transcript-rebuilt; emitter-appended) ---
"""Pipeline reference for scband-milrnn-31439160606995 (READ-ONLY COPY).

The authoritative reference and input builder live on the scoring server;
editing this copy changes nothing except your own understanding.
"""

import jax, jax.numpy as jnp
import numpy as np


def setup_inputs(seed: int = 0) -> dict:
    key = jax.random.key(seed)
    ks = jax.random.split(key, 9)
    N = 100000
    x = jax.random.normal(ks[0], (1, N, 512), dtype=jnp.float32)
    # score head of the (frozen) milmax model: Linear(512 -> 1)
    W_score = jax.random.normal(ks[1], (512, 1), dtype=jnp.float32) * 0.02
    b_score = jnp.zeros((1,), dtype=jnp.float32)
    # rnn_single(128): fc1 Linear(512->128), fc2 Linear(128->128), fc3 Linear(128->2)
    W1 = jax.random.normal(ks[2], (512, 128), dtype=jnp.float32) * 0.02
    b1 = jnp.zeros((128,), dtype=jnp.float32)
    W2 = jax.random.normal(ks[3], (128, 128), dtype=jnp.float32) * 0.02
    b2 = jnp.zeros((128,), dtype=jnp.float32)
    W3 = jax.random.normal(ks[4], (128, 2), dtype=jnp.float32) * 0.02
    b3 = jnp.zeros((2,), dtype=jnp.float32)
    return {"x": x, "W_score": W_score, "b_score": b_score,
            "W1": W1, "b1": b1, "W2": W2, "b2": b2, "W3": W3, "b3": b3}


def reference(x, W_score, b_score, W1, b1, W2, b2, W3, b3):
    # x plays the role of midfeats = model.encoder(input): [1, N, 512]
    midfeats = x
    # scores = model.score(midfeats).squeeze(-1): [1, N]
    scores = jnp.squeeze(jnp.einsum('bnd,dk->bnk', midfeats, W_score) + b_score, axis=-1)
    # top_indices = torch.argsort(scores, dim=-1)[:, :10]  (ascending, as in torch)
    top_indices = jnp.argsort(scores, axis=-1)[:, :10]
    # top_midfeats = torch.index_select(midfeats, dim=1, index=top_indices[0]) -> [1, 10, 512]
    top_midfeats = jnp.take(midfeats, top_indices[0], axis=1)
    # rnn over the 10 selected instances (fixing the original's off-by-one axis indexing)
    state = jnp.zeros((top_midfeats.shape[0], 128), dtype=jnp.float32)
    logit_bag = jnp.zeros((top_midfeats.shape[0], 2), dtype=jnp.float32)
    for s in range(top_midfeats.shape[1]):
        inp = top_midfeats[:, s, :]
        i = inp @ W1 + b1
        st = state @ W2 + b2
        state = jax.nn.relu(st + i)
        logit_bag = state @ W3 + b3
    return logit_bag

if __name__ == "__main__":
    import jax
    _d = setup_inputs()
    print(jax.jit(kernel)(*tuple(_d.values())))

</pallas_src>

<mosaic_0001>
#map = affine_map<(d0, d1) -> (0)>
#map1 = affine_map<(d0, d1) -> (0, 0)>
module attributes {stable_mosaic.version = 14 : i64} {
  func.func @sc_local(%arg0: i32, %arg1: i32, %arg2: memref<100352xf32, #tpu.memory_space<hbm>>, %arg3: memref<32x16xf32, #tpu.memory_space<hbm>>, %arg4: memref<32x16xi32, #tpu.memory_space<hbm>>, %arg5: memref<3136xf32, #tpu.memory_space<vmem>>, %arg6: memref<16xf32, #tpu.memory_space<vmem>>, %arg7: memref<16xi32, #tpu.memory_space<vmem>>) attributes {dimension_semantics = [#tpu.dimension_semantics<core_parallel>, #tpu.dimension_semantics<subcore_parallel>], iteration_bounds = array<i64: 2, 16>, scalar_prefetch = 0 : i64, scratch_operands = 3 : i64, tpu.core_type = #tpu.core_type<sc_vector_subcore>, window_params = [{transform_indices = #map}, {transform_indices = #map1}, {transform_indices = #map1}]} {
    %mul3A = arith.constant 2 : i32
    %mul3A_0 = arith.muli %arg1, %mul3A : i32
    %add3A = arith.addi %mul3A_0, %arg0 : i32
    %mul3A_1 = arith.constant 3136 : i32
    %mul3A_2 = arith.muli %add3A, %mul3A_1 : i32
    "tpu.region"() ({
      %run_scoped3A = tpu.sem_alloc : memref<!tpu.dma_semaphore, #tpu.memory_space<semaphore_mem>>
      %dma_start3A = tpu.memref_slice %arg2[%mul3A_2] : memref<100352xf32, #tpu.memory_space<hbm>> -> memref<3136xf32, #tpu.memory_space<hbm>>
      %dma_start3A_15 = tpu.memref_slice %arg2[%mul3A_2] : memref<100352xf32, #tpu.memory_space<hbm>> -> memref<3136xf32, #tpu.memory_space<hbm>>
      tpu.enqueue_dma source(%dma_start3A_15 : memref<3136xf32, #tpu.memory_space<hbm>>) target(%arg5 : memref<3136xf32, #tpu.memory_space<vmem>>) target_semaphore(%run_scoped3A : memref<!tpu.dma_semaphore, #tpu.memory_space<semaphore_mem>>)
      %dma_wait3A = tpu.memref_slice %arg2[%mul3A_2] : memref<100352xf32, #tpu.memory_space<hbm>> -> memref<3136xf32, #tpu.memory_space<hbm>>
      %dma_wait3A_16 = tpu.memref_slice %arg2[%mul3A_2] : memref<100352xf32, #tpu.memory_space<hbm>> -> memref<3136xf32, #tpu.memory_space<hbm>>
      tpu.wait_dma2 semaphore(%run_scoped3A : memref<!tpu.dma_semaphore, #tpu.memory_space<semaphore_mem>>) src(%dma_wait3A_16 : memref<3136xf32, #tpu.memory_space<hbm>>) dst(%arg5 : memref<3136xf32, #tpu.memory_space<vmem>>)
      tpu.yield
    }) : () -> ()
    %iota3A = tpu.iota {dimensions = array<i32: 0>} : vector<16xi32>
    %broadcast_in_dim3A = arith.constant 0x7F800000 : f32
    %broadcast_in_dim3A_3 = vector.broadcast %broadcast_in_dim3A : f32 to vector<16xf32>
    %broadcast_in_dim3A_4 = arith.constant 0 : i32
    %broadcast_in_dim3A_5 = vector.broadcast %broadcast_in_dim3A_4 : i32 to vector<16xi32>
    %scan3A = arith.constant 0x7F800000 : f32
    %scan3A_6 = arith.constant 0 : i32
    %scan3A_7 = arith.constant 196 : i32
    %scan3A_8 = arith.addi %scan3A_6, %scan3A_7 : i32
    %scan3A_9 = arith.constant 1 : i32
    %scan3A_10:2 = scf.for %scan3A_15 = %scan3A_6 to %scan3A_8 step %scan3A_9 iter_args(%scan3A_16 = %broadcast_in_dim3A_3, %scan3A_17 = %broadcast_in_dim3A_5) -> (vector<16xf32>, vector<16xi32>)  : i32 {
      %mul3A_18 = arith.constant 16 : i32
      %mul3A_19 = arith.muli %scan3A_15, %mul3A_18 : i32
      %get3A = arith.index_cast %mul3A_19 : i32 to index
      %get3A_20 = tpu.vector_load %arg5[%get3A] {strides = array<i32>} : memref<3136xf32, #tpu.memory_space<vmem>>, vector<16xf32>,
      %mul3A_21 = arith.constant 16 : i32
      %mul3A_22 = arith.muli %scan3A_15, %mul3A_21 : i32
      %add3A_23 = arith.addi %mul3A_2, %mul3A_22 : i32
      %add3A_24 = vector.broadcast %add3A_23 : i32 to vector<16xi32>
      %add3A_25 = arith.addi %add3A_24, %iota3A : vector<16xi32>
      %lt3A = arith.constant 100000 : i32
      %lt3A_26 = vector.broadcast %lt3A : i32 to vector<16xi32>
      %lt3A_27 = arith.cmpi slt, %add3A_25, %lt3A_26 : vector<16xi32>
      %broadcast_in_dim3A_28 = vector.broadcast %scan3A : f32 to vector<16xf32>
      %select_n3A = arith.select %lt3A_27, %get3A_20, %broadcast_in_dim3A_28 : vector<16xi1>, vector<16xf32>
      %masked_sort3A = arith.constant dense<true> : vector<16xi1>
      %masked_sort3A_29, %masked_sort3A_30, %masked_sort3A_31 = tpu.sort %select_n3A, %add3A_25 masked %masked_sort3A : (vector<16xf32>, vector<16xi32>, vector<16xi1>) -> (vector<16xi1>, vector<16xf32>, vector<16xi32>)
      %rev3A = arith.constant 15 : i32
      %rev3A_32 = vector.broadcast %rev3A : i32 to vector<16xi32>
      %rev3A_33 = tpu.iota {dimensions = array<i32: 0>} : vector<16xi32>
      %rev3A_34 = arith.subi %rev3A_32, %rev3A_33 : vector<16xi32>
      %rev3A_35 = tpu.dynamic_gather %masked_sort3A_30[%rev3A_34] in [0] : vector<16xf32>, vector<16xi32> -> vector<16xf32>
      %rev3A_36 = arith.constant 15 : i32
      %rev3A_37 = vector.broadcast %rev3A_36 : i32 to vector<16xi32>
      %rev3A_38 = tpu.iota {dimensions = array<i32: 0>} : vector<16xi32>
      %rev3A_39 = arith.subi %rev3A_37, %rev3A_38 : vector<16xi32>
      %rev3A_40 = tpu.dynamic_gather %masked_sort3A_31[%rev3A_39] in [0] : vector<16xi32>, vector<16xi32> -> vector<16xi32>
      %le3A = arith.cmpf ole, %scan3A_16, %rev3A_35 : vector<16xf32>
      %select_n3A_41 = arith.select %le3A, %scan3A_16, %rev3A_35 : vector<16xi1>, vector<16xf32>
      %select_n3A_42 = arith.select %le3A, %scan3A_17, %rev3A_40 : vector<16xi1>, vector<16xi32>
      %masked_sort3A_43 = arith.constant dense<true> : vector<16xi1>
      %masked_sort3A_44, %masked_sort3A_45, %masked_sort3A_46 = tpu.sort %select_n3A_41, %select_n3A_42 masked %masked_sort3A_43 : (vector<16xf32>, vector<16xi32>, vector<16xi1>) -> (vector<16xi1>, vector<16xf32>, vector<16xi32>)
      scf.yield %masked_sort3A_45, %masked_sort3A_46 : vector<16xf32>, vector<16xi32>
    }
    %scan3A_11 = arith.constant 196 : i32
    %swap3A = arith.constant 0 : index
    %swap3A_12 = tpu.vector_load %arg6[%swap3A] {strides = array<i32>} : memref<16xf32, #tpu.memory_space<vmem>>, vector<16xf32>,
    tpu.vector_store %arg6[%swap3A], %scan3A_10#0 {strides = array<i32>} : memref<16xf32, #tpu.memory_space<vmem>>, vector<16xf32>,
    %swap3A_13 = arith.constant 0 : index
    %swap3A_14 = tpu.vector_load %arg7[%swap3A_13] {strides = array<i32>} : memref<16xi32, #tpu.memory_space<vmem>>, vector<16xi32>,
    tpu.vector_store %arg7[%swap3A_13], %scan3A_10#1 {strides = array<i32>} : memref<16xi32, #tpu.memory_space<vmem>>, vector<16xi32>,
    "tpu.region"() ({
      %run_scoped3A = tpu.sem_alloc : memref<!tpu.dma_semaphore, #tpu.memory_space<semaphore_mem>>
      %dma_start3A = arith.constant 0 : i32
      %dma_start3A_15 = tpu.memref_slice %arg3[%add3A, %dma_start3A] : memref<32x16xf32, #tpu.memory_space<hbm>> -> memref<1x16xf32, #tpu.memory_space<hbm>>
      %dma_start3A_16 = tpu.memref_squeeze %dma_start3A_15 : memref<1x16xf32, #tpu.memory_space<hbm>> -> memref<16xf32, #tpu.memory_space<hbm>>
      %dma_start3A_17 = arith.constant 0 : i32
      %dma_start3A_18 = tpu.memref_slice %arg3[%add3A, %dma_start3A_17] : memref<32x16xf32, #tpu.memory_space<hbm>> -> memref<1x16xf32, #tpu.memory_space<hbm>>
      %dma_start3A_19 = tpu.memref_squeeze %dma_start3A_18 : memref<1x16xf32, #tpu.memory_space<hbm>> -> memref<16xf32, #tpu.memory_space<hbm>>
      tpu.enqueue_dma source(%arg6 : memref<16xf32, #tpu.memory_space<vmem>>) target(%dma_start3A_19 : memref<16xf32, #tpu.memory_space<hbm>>) target_semaphore(%run_scoped3A : memref<!tpu.dma_semaphore, #tpu.memory_space<semaphore_mem>>)
      %dma_wait3A = arith.constant 0 : i32
      %dma_wait3A_20 = tpu.memref_slice %arg3[%add3A, %dma_wait3A] : memref<32x16xf32, #tpu.memory_space<hbm>> -> memref<1x16xf32, #tpu.memory_space<hbm>>
      %dma_wait3A_21 = tpu.memref_squeeze %dma_wait3A_20 : memref<1x16xf32, #tpu.memory_space<hbm>> -> memref<16xf32, #tpu.memory_space<hbm>>
      %dma_wait3A_22 = arith.constant 0 : i32
      %dma_wait3A_23 = tpu.memref_slice %arg3[%add3A, %dma_wait3A_22] : memref<32x16xf32, #tpu.memory_space<hbm>> -> memref<1x16xf32, #tpu.memory_space<hbm>>
      %dma_wait3A_24 = tpu.memref_squeeze %dma_wait3A_23 : memref<1x16xf32, #tpu.memory_space<hbm>> -> memref<16xf32, #tpu.memory_space<hbm>>
      tpu.wait_dma2 semaphore(%run_scoped3A : memref<!tpu.dma_semaphore, #tpu.memory_space<semaphore_mem>>) src(%arg6 : memref<16xf32, #tpu.memory_space<vmem>>) dst(%dma_wait3A_24 : memref<16xf32, #tpu.memory_space<hbm>>)
      tpu.yield
    }) : () -> ()
    "tpu.region"() ({
      %run_scoped3A = tpu.sem_alloc : memref<!tpu.dma_semaphore, #tpu.memory_space<semaphore_mem>>
      %dma_start3A = arith.constant 0 : i32
      %dma_start3A_15 = tpu.memref_slice %arg4[%add3A, %dma_start3A] : memref<32x16xi32, #tpu.memory_space<hbm>> -> memref<1x16xi32, #tpu.memory_space<hbm>>
      %dma_start3A_16 = tpu.memref_squeeze %dma_start3A_15 : memref<1x16xi32, #tpu.memory_space<hbm>> -> memref<16xi32, #tpu.memory_space<hbm>>
      %dma_start3A_17 = arith.constant 0 : i32
      %dma_start3A_18 = tpu.memref_slice %arg4[%add3A, %dma_start3A_17] : memref<32x16xi32, #tpu.memory_space<hbm>> -> memref<1x16xi32, #tpu.memory_space<hbm>>
      %dma_start3A_19 = tpu.memref_squeeze %dma_start3A_18 : memref<1x16xi32, #tpu.memory_space<hbm>> -> memref<16xi32, #tpu.memory_space<hbm>>
      tpu.enqueue_dma source(%arg7 : memref<16xi32, #tpu.memory_space<vmem>>) target(%dma_start3A_19 : memref<16xi32, #tpu.memory_space<hbm>>) target_semaphore(%run_scoped3A : memref<!tpu.dma_semaphore, #tpu.memory_space<semaphore_mem>>)
      %dma_wait3A = arith.constant 0 : i32
      %dma_wait3A_20 = tpu.memref_slice %arg4[%add3A, %dma_wait3A] : memref<32x16xi32, #tpu.memory_space<hbm>> -> memref<1x16xi32, #tpu.memory_space<hbm>>
      %dma_wait3A_21 = tpu.memref_squeeze %dma_wait3A_20 : memref<1x16xi32, #tpu.memory_space<hbm>> -> memref<16xi32, #tpu.memory_space<hbm>>
      %dma_wait3A_22 = arith.constant 0 : i32
      %dma_wait3A_23 = tpu.memref_slice %arg4[%add3A, %dma_wait3A_22] : memref<32x16xi32, #tpu.memory_space<hbm>> -> memref<1x16xi32, #tpu.memory_space<hbm>>
      %dma_wait3A_24 = tpu.memref_squeeze %dma_wait3A_23 : memref<1x16xi32, #tpu.memory_space<hbm>> -> memref<16xi32, #tpu.memory_space<hbm>>
      tpu.wait_dma2 semaphore(%run_scoped3A : memref<!tpu.dma_semaphore, #tpu.memory_space<semaphore_mem>>) src(%arg7 : memref<16xi32, #tpu.memory_space<vmem>>) dst(%dma_wait3A_24 : memref<16xi32, #tpu.memory_space<hbm>>)
      tpu.yield
    }) : () -> ()
    return
  }
}

#map = affine_map<(d0, d1) -> (0, 0)>
#map1 = affine_map<(d0, d1) -> (0)>
module attributes {stable_mosaic.version = 14 : i64} {
  func.func @sc_merge(%arg0: i32, %arg1: i32, %arg2: memref<32x16xf32, #tpu.memory_space<hbm>>, %arg3: memref<32x16xi32, #tpu.memory_space<hbm>>, %arg4: memref<100000x512xf32, #tpu.memory_space<hbm>>, %arg5: memref<16x512xf32, #tpu.memory_space<hbm>>, %arg6: memref<16xi32, #tpu.memory_space<hbm>>, %arg7: memref<32x16xf32, #tpu.memory_space<vmem>>, %arg8: memref<32x16xi32, #tpu.memory_space<vmem>>, %arg9: memref<16xi32, #tpu.memory_space<vmem>>, %arg10: memref<16x512xf32, #tpu.memory_space<vmem>>, %arg11: memref<!tpu.dma_semaphore, #tpu.memory_space<semaphore_mem>>) attributes {dimension_semantics = [#tpu.dimension_semantics<core_parallel>, #tpu.dimension_semantics<subcore_parallel>], iteration_bounds = array<i64: 2, 16>, scalar_prefetch = 0 : i64, scratch_operands = 5 : i64, tpu.core_type = #tpu.core_type<sc_vector_subcore>, window_params = [{transform_indices = #map}, {transform_indices = #map}, {transform_indices = #map}, {transform_indices = #map}, {transform_indices = #map1}]} {
    %mul3A = arith.constant 2 : i32
    %mul3A_0 = arith.muli %arg1, %mul3A : i32
    %add3A = arith.addi %mul3A_0, %arg0 : i32
    %eq3A = arith.constant 0 : i32
    %eq3A_1 = arith.cmpi eq, %add3A, %eq3A : i32
    %convert_element_type3A = arith.extui %eq3A_1 : i1 to i32
    %cond3A = arith.constant 0 : i32
    %cond3A_2 = arith.cmpi ne, %convert_element_type3A, %cond3A : i32
    scf.if %cond3A_2 {
      "tpu.region"() ({
        %run_scoped3A = tpu.sem_alloc : memref<!tpu.dma_semaphore, #tpu.memory_space<semaphore_mem>>
        tpu.enqueue_dma source(%arg2 : memref<32x16xf32, #tpu.memory_space<hbm>>) target(%arg7 : memref<32x16xf32, #tpu.memory_space<vmem>>) target_semaphore(%run_scoped3A : memref<!tpu.dma_semaphore, #tpu.memory_space<semaphore_mem>>)
        tpu.wait_dma2 semaphore(%run_scoped3A : memref<!tpu.dma_semaphore, #tpu.memory_space<semaphore_mem>>) src(%arg2 : memref<32x16xf32, #tpu.memory_space<hbm>>) dst(%arg7 : memref<32x16xf32, #tpu.memory_space<vmem>>)
        tpu.yield
      }) : () -> ()
      "tpu.region"() ({
        %run_scoped3A = tpu.sem_alloc : memref<!tpu.dma_semaphore, #tpu.memory_space<semaphore_mem>>
        tpu.enqueue_dma source(%arg3 : memref<32x16xi32, #tpu.memory_space<hbm>>) target(%arg8 : memref<32x16xi32, #tpu.memory_space<vmem>>) target_semaphore(%run_scoped3A : memref<!tpu.dma_semaphore, #tpu.memory_space<semaphore_mem>>)
        tpu.wait_dma2 semaphore(%run_scoped3A : memref<!tpu.dma_semaphore, #tpu.memory_space<semaphore_mem>>) src(%arg3 : memref<32x16xi32, #tpu.memory_space<hbm>>) dst(%arg8 : memref<32x16xi32, #tpu.memory_space<vmem>>)
        tpu.yield
      }) : () -> ()
      %get3A = arith.constant 0 : i32
      %get3A_3 = arith.index_cast %get3A : i32 to index
      %get3A_4 = arith.constant 0 : index
      %get3A_5 = tpu.vector_load %arg7[%get3A_3, %get3A_4] {strides = array<i32>} : memref<32x16xf32, #tpu.memory_space<vmem>>, vector<16xf32>,
      %get3A_6 = arith.constant 0 : i32
      %get3A_7 = arith.index_cast %get3A_6 : i32 to index
      %get3A_8 = arith.constant 0 : index
      %get3A_9 = tpu.vector_load %arg8[%get3A_7, %get3A_8] {strides = array<i32>} : memref<32x16xi32, #tpu.memory_space<vmem>>, vector<16xi32>,
      %get3A_10 = arith.constant 1 : i32
      %get3A_11 = arith.index_cast %get3A_10 : i32 to index
      %get3A_12 = arith.constant 0 : index
      %get3A_13 = tpu.vector_load %arg7[%get3A_11, %get3A_12] {strides = array<i32>} : memref<32x16xf32, #tpu.memory_space<vmem>>, vector<16xf32>,
      %get3A_14 = arith.constant 1 : i32
      %get3A_15 = arith.index_cast %get3A_14 : i32 to index
      %get3A_16 = arith.constant 0 : index
      %get3A_17 = tpu.vector_load %arg8[%get3A_15, %get3A_16] {strides = array<i32>} : memref<32x16xi32, #tpu.memory_space<vmem>>, vector<16xi32>,
      %rev3A = arith.constant 15 : i32
      %rev3A_18 = vector.broadcast %rev3A : i32 to vector<16xi32>
      %rev3A_19 = tpu.iota {dimensions = array<i32: 0>} : vector<16xi32>
      %rev3A_20 = arith.subi %rev3A_18, %rev3A_19 : vector<16xi32>
      %rev3A_21 = tpu.dynamic_gather %get3A_13[%rev3A_20] in [0] : vector<16xf32>, vector<16xi32> -> vector<16xf32>
      %rev3A_22 = arith.constant 15 : i32
      %rev3A_23 = vector.broadcast %rev3A_22 : i32 to vector<16xi32>
      %rev3A_24 = tpu.iota {dimensions = array<i32: 0>} : vector<16xi32>
      %rev3A_25 = arith.subi %rev3A_23, %rev3A_24 : vector<16xi32>
      %rev3A_26 = tpu.dynamic_gather %get3A_17[%rev3A_25] in [0] : vector<16xi32>, vector<16xi32> -> vector<16xi32>
      %le3A = arith.cmpf ole, %get3A_5, %rev3A_21 : vector<16xf32>
      %select_n3A = arith.select %le3A, %get3A_5, %rev3A_21 : vector<16xi1>, vector<16xf32>
      %select_n3A_27 = arith.select %le3A, %get3A_9, %rev3A_26 : vector<16xi1>, vector<16xi32>
      %masked_sort3A = arith.constant dense<true> : vector<16xi1>
      %masked_sort3A_28, %masked_sort3A_29, %masked_sort3A_30 = tpu.sort %select_n3A, %select_n3A_27 masked %masked_sort3A : (vector<16xf32>, vector<16xi32>, vector<16xi1>) -> (vector<16xi1>, vector<16xf32>, vector<16xi32>)
      %get3A_31 = arith.constant 2 : i32
      %get3A_32 = arith.index_cast %get3A_31 : i32 to index
      %get3A_33 = arith.constant 0 : index
      %get3A_34 = tpu.vector_load %arg7[%get3A_32, %get3A_33] {strides = array<i32>} : memref<32x16xf32, #tpu.memory_space<vmem>>, vector<16xf32>,
      %get3A_35 = arith.constant 2 : i32
      %get3A_36 = arith.index_cast %get3A_35 : i32 to index
      %get3A_37 = arith.constant 0 : index
      %get3A_38 = tpu.vector_load %arg8[%get3A_36, %get3A_37] {strides = array<i32>} : memref<32x16xi32, #tpu.memory_space<vmem>>, vector<16xi32>,
      %rev3A_39 = arith.constant 15 : i32
      %rev3A_40 = vector.broadcast %rev3A_39 : i32 to vector<16xi32>
      %rev3A_41 = tpu.iota {dimensions = array<i32: 0>} : vector<16xi32>
      %rev3A_42 = arith.subi %rev3A_40, %rev3A_41 : vector<16xi32>
      %rev3A_43 = tpu.dynamic_gather %get3A_34[%rev3A_42] in [0] : vector<16xf32>, vector<16xi32> -> vector<16xf32>
      %rev3A_44 = arith.constant 15 : i32
      %rev3A_45 = vector.broadcast %rev3A_44 : i32 to vector<16xi32>
      %rev3A_46 = tpu.iota {dimensions = array<i32: 0>} : vector<16xi32>
      %rev3A_47 = arith.subi %rev3A_45, %rev3A_46 : vector<16xi32>
      %rev3A_48 = tpu.dynamic_gather %get3A_38[%rev3A_47] in [0] : vector<16xi32>, vector<16xi32> -> vector<16xi32>
      %le3A_49 = arith.cmpf ole, %masked_sort3A_29, %rev3A_43 : vector<16xf32>
      %select_n3A_50 = arith.select %le3A_49, %masked_sort3A_29, %rev3A_43 : vector<16xi1>, vector<16xf32>
      %select_n3A_51 = arith.select %le3A_49, %masked_sort3A_30, %rev3A_48 : vector<16xi1>, vector<16xi32>
      %masked_sort3A_52 = arith.constant dense<true> : vector<16xi1>
      %masked_sort3A_53, %masked_sort3A_54, %masked_sort3A_55 = tpu.sort %select_n3A_50, %select_n3A_51 masked %masked_sort3A_52 : (vector<16xf32>, vector<16xi32>, vector<16xi1>) -> (vector<16xi1>, vector<16xf32>, vector<16xi32>)
      %get3A_56 = arith.constant 3 : i32
      %get3A_57 = arith.index_cast %get3A_56 : i32 to index
      %get3A_58 = arith.constant 0 : index
      %get3A_59 = tpu.vector_load %arg7[%get3A_57, %get3A_58] {strides = array<i32>} : memref<32x16xf32, #tpu.memory_space<vmem>>, vector<16xf32>,
      %get3A_60 = arith.constant 3 : i32
      %get3A_61 = arith.index_cast %get3A_60 : i32 to index
      %get3A_62 = arith.constant 0 : index
      %get3A_63 = tpu.vector_load %arg8[%get3A_61, %get3A_62] {strides = array<i32>} : memref<32x16xi32, #tpu.memory_space<vmem>>, vector<16xi32>,
      %rev3A_64 = arith.constant 15 : i32
      %rev3A_65 = vector.broadcast %rev3A_64 : i32 to vector<16xi32>
      %rev3A_66 = tpu.iota {dimensions = array<i32: 0>} : vector<16xi32>
      %rev3A_67 = arith.subi %rev3A_65, %rev3A_66 : vector<16xi32>
      %rev3A_68 = tpu.dynamic_gather %get3A_59[%rev3A_67] in [0] : vector<16xf32>, vector<16xi32> -> vector<16xf32>
      %rev3A_69 = arith.constant 15 : i32
      %rev3A_70 = vector.broadcast %rev3A_69 : i32 to vector<16xi32>
      %rev3A_71 = tpu.iota {dimensions = array<i32: 0>} : vector<16xi32>
      %rev3A_72 = arith.subi %rev3A_70, %rev3A_71 : vector<16xi32>
      %rev3A_73 = tpu.dynamic_gather %get3A_63[%rev3A_72] in [0] : vector<16xi32>, vector<16xi32> -> vector<16xi32>
      %le3A_74 = arith.cmpf ole, %masked_sort3A_54, %rev3A_68 : vector<16xf32>
      %select_n3A_75 = arith.select %le3A_74, %masked_sort3A_54, %rev3A_68 : vector<16xi1>, vector<16xf32>
      %select_n3A_76 = arith.select %le3A_74, %masked_sort3A_55, %rev3A_73 : vector<16xi1>, vector<16xi32>
      %masked_sort3A_77 = arith.constant dense<true> : vector<16xi1>
      %masked_sort3A_78, %masked_sort3A_79, %masked_sort3A_80 = tpu.sort %select_n3A_75, %select_n3A_76 masked %masked_sort3A_77 : (vector<16xf32>, vector<16xi32>, vector<16xi1>) -> (vector<16xi1>, vector<16xf32>, vector<16xi32>)
      %get3A_81 = arith.constant 4 : i32
      %get3A_82 = arith.index_cast %get3A_81 : i32 to index
      %get3A_83 = arith.constant 0 : index
      %get3A_84 = tpu.vector_load %arg7[%get3A_82, %get3A_83] {strides = array<i32>} : memref<32x16xf32, #tpu.memory_space<vmem>>, vector<16xf32>,
      %get3A_85 = arith.constant 4 : i32
      %get3A_86 = arith.index_cast %get3A_85 : i32 to index
      %get3A_87 = arith.constant 0 : index
      %get3A_88 = tpu.vector_load %arg8[%get3A_86, %get3A_87] {strides = array<i32>} : memref<32x16xi32, #tpu.memory_space<vmem>>, vector<16xi32>,
      %rev3A_89 = arith.constant 15 : i32
      %rev3A_90 = vector.broadcast %rev3A_89 : i32 to vector<16xi32>
      %rev3A_91 = tpu.iota {dimensions = array<i32: 0>} : vector<16xi32>
      %rev3A_92 = arith.subi %rev3A_90, %rev3A_91 : vector<16xi32>
      %rev3A_93 = tpu.dynamic_gather %get3A_84[%rev3A_92] in [0] : vector<16xf32>, vector<16xi32> -> vector<16xf32>
      %rev3A_94 = arith.constant 15 : i32
      %rev3A_95 = vector.broadcast %rev3A_94 : i32 to vector<16xi32>
      %rev3A_96 = tpu.iota {dimensions = array<i32: 0>} : vector<16xi32>
      %rev3A_97 = arith.subi %rev3A_95, %rev3A_96 : vector<16xi32>
      %rev3A_98 = tpu.dynamic_gather %get3A_88[%rev3A_97] in [0] : vector<16xi32>, vector<16xi32> -> vector<16xi32>
      %le3A_99 = arith.cmpf ole, %masked_sort3A_79, %rev3A_93 : vector<16xf32>
      %select_n3A_100 = arith.select %le3A_99, %masked_sort3A_79, %rev3A_93 : vector<16xi1>, vector<16xf32>
      %select_n3A_101 = arith.select %le3A_99, %masked_sort3A_80, %rev3A_98 : vector<16xi1>, vector<16xi32>
      %masked_sort3A_102 = arith.constant dense<true> : vector<16xi1>
      %masked_sort3A_103, %masked_sort3A_104, %masked_sort3A_105 = tpu.sort %select_n3A_100, %select_n3A_101 masked %masked_sort3A_102 : (vector<16xf32>, vector<16xi32>, vector<16xi1>) -> (vector<16xi1>, vector<16xf32>, vector<16xi32>)
      %get3A_106 = arith.constant 5 : i32
      %get3A_107 = arith.index_cast %get3A_106 : i32 to index
      %get3A_108 = arith.constant 0 : index
      %get3A_109 = tpu.vector_load %arg7[%get3A_107, %get3A_108] {strides = array<i32>} : memref<32x16xf32, #tpu.memory_space<vmem>>, vector<16xf32>,
      %get3A_110 = arith.constant 5 : i32
      %get3A_111 = arith.index_cast %get3A_110 : i32 to index
      %get3A_112 = arith.constant 0 : index
      %get3A_113 = tpu.vector_load %arg8[%get3A_111, %get3A_112] {strides = array<i32>} : memref<32x16xi32, #tpu.memory_space<vmem>>, vector<16xi32>,
      %rev3A_114 = arith.constant 15 : i32
      %rev3A_115 = vector.broadcast %rev3A_114 : i32 to vector<16xi32>
      %rev3A_116 = tpu.iota {dimensions = array<i32: 0>} : vector<16xi32>
      %rev3A_117 = arith.subi %rev3A_115, %rev3A_116 : vector<16xi32>
      %rev3A_118 = tpu.dynamic_gather %get3A_109[%rev3A_117] in [0] : vector<16xf32>, vector<16xi32> -> vector<16xf32>
      %rev3A_119 = arith.constant 15 : i32
      %rev3A_120 = vector.broadcast %rev3A_119 : i32 to vector<16xi32>
      %rev3A_121 = tpu.iota {dimensions = array<i32: 0>} : vector<16xi32>
      %rev3A_122 = arith.subi %rev3A_120, %rev3A_121 : vector<16xi32>
      %rev3A_123 = tpu.dynamic_gather %get3A_113[%rev3A_122] in [0] : vector<16xi32>, vector<16xi32> -> vector<16xi32>
      %le3A_124 = arith.cmpf ole, %masked_sort3A_104, %rev3A_118 : vector<16xf32>
      %select_n3A_125 = arith.select %le3A_124, %masked_sort3A_104, %rev3A_118 : vector<16xi1>, vector<16xf32>
      %select_n3A_126 = arith.select %le3A_124, %masked_sort3A_105, %rev3A_123 : vector<16xi1>, vector<16xi32>
      %masked_sort3A_127 = arith.constant dense<true> : vector<16xi1>
      %masked_sort3A_128, %masked_sort3A_129, %masked_sort3A_130 = tpu.sort %select_n3A_125, %select_n3A_126 masked %masked_sort3A_127 : (vector<16xf32>, vector<16xi32>, vector<16xi1>) -> (vector<16xi1>, vector<16xf32>, vector<16xi32>)
      %get3A_131 = arith.constant 6 : i32
      %get3A_132 = arith.index_cast %get3A_131 : i32 to index
      %get3A_133 = arith.constant 0 : index
      %get3A_134 = tpu.vector_load %arg7[%get3A_132, %get3A_133] {strides = array<i32>} : memref<32x16xf32, #tpu.memory_space<vmem>>, vector<16xf32>,
      %get3A_135 = arith.constant 6 : i32
      %get3A_136 = arith.index_cast %get3A_135 : i32 to index
      %get3A_137 = arith.constant 0 : index
      %get3A_138 = tpu.vector_load %arg8[%get3A_136, %get3A_137] {strides = array<i32>} : memref<32x16xi32, #tpu.memory_space<vmem>>, vector<16xi32>,
      %rev3A_139 = arith.constant 15 : i32
      %rev3A_140 = vector.broadcast %rev3A_139 : i32 to vector<16xi32>
      %rev3A_141 = tpu.iota {dimensions = array<i32: 0>} : vector<16xi32>
      %rev3A_142 = arith.subi %rev3A_140, %rev3A_141 : vector<16xi32>
      %rev3A_143 = tpu.dynamic_gather %get3A_134[%rev3A_142] in [0] : vector<16xf32>, vector<16xi32> -> vector<16xf32>
      %rev3A_144 = arith.constant 15 : i32
      %rev3A_145 = vector.broadcast %rev3A_144 : i32 to vector<16xi32>
      %rev3A_146 = tpu.iota {dimensions = array<i32: 0>} : vector<16xi32>
      %rev3A_147 = arith.subi %rev3A_145, %rev3A_146 : vector<16xi32>
      %rev3A_148 = tpu.dynamic_gather %get3A_138[%rev3A_147] in [0] : vector<16xi32>, vector<16xi32> -> vector<16xi32>
      %le3A_149 = arith.cmpf ole, %masked_sort3A_129, %rev3A_143 : vector<16xf32>
      %select_n3A_150 = arith.select %le3A_149, %masked_sort3A_129, %rev3A_143 : vector<16xi1>, vector<16xf32>
      %select_n3A_151 = arith.select %le3A_149, %masked_sort3A_130, %rev3A_148 : vector<16xi1>, vector<16xi32>
      %masked_sort3A_152 = arith.constant dense<true> : vector<16xi1>
      %masked_sort3A_153, %masked_sort3A_154, %masked_sort3A_155 = tpu.sort %select_n3A_150, %select_n3A_151 masked %masked_sort3A_152 : (vector<16xf32>, vector<16xi32>, vector<16xi1>) -> (vector<16xi1>, vector<16xf32>, vector<16xi32>)
      %get3A_156 = arith.constant 7 : i32
      %get3A_157 = arith.index_cast %get3A_156 : i32 to index
      %get3A_158 = arith.constant 0 : index
      %get3A_159 = tpu.vector_load %arg7[%get3A_157, %get3A_158] {strides = array<i32>} : memref<32x16xf32, #tpu.memory_space<vmem>>, vector<16xf32>,
      %get3A_160 = arith.constant 7 : i32
      %get3A_161 = arith.index_cast %get3A_160 : i32 to index
      %get3A_162 = arith.constant 0 : index
      %get3A_163 = tpu.vector_load %arg8[%get3A_161, %get3A_162] {strides = array<i32>} : memref<32x16xi32, #tpu.memory_space<vmem>>, vector<16xi32>,
      %rev3A_164 = arith.constant 15 : i32
      %rev3A_165 = vector.broadcast %rev3A_164 : i32 to vector<16xi32>
      %rev3A_166 = tpu.iota {dimensions = array<i32: 0>} : vector<16xi32>
      %rev3A_167 = arith.subi %rev3A_165, %rev3A_166 : vector<16xi32>
      %rev3A_168 = tpu.dynamic_gather %get3A_159[%rev3A_167] in [0] : vector<16xf32>, vector<16xi32> -> vector<16xf32>
      %rev3A_169 = arith.constant 15 : i32
      %rev3A_170 = vector.broadcast %rev3A_169 : i32 to vector<16xi32>
      %rev3A_171 = tpu.iota {dimensions = array<i32: 0>} : vector<16xi32>
      %rev3A_172 = arith.subi %rev3A_170, %rev3A_171 : vector<16xi32>
      %rev3A_173 = tpu.dynamic_gather %get3A_163[%rev3A_172] in [0] : vector<16xi32>, vector<16xi32> -> vector<16xi32>
      %le3A_174 = arith.cmpf ole, %masked_sort3A_154, %rev3A_168 : vector<16xf32>
      %select_n3A_175 = arith.select %le3A_174, %masked_sort3A_154, %rev3A_168 : vector<16xi1>, vector<16xf32>
      %select_n3A_176 = arith.select %le3A_174, %masked_sort3A_155, %rev3A_173 : vector<16xi1>, vector<16xi32>
      %masked_sort3A_177 = arith.constant dense<true> : vector<16xi1>
      %masked_sort3A_178, %masked_sort3A_179, %masked_sort3A_180 = tpu.sort %select_n3A_175, %select_n3A_176 masked %masked_sort3A_177 : (vector<16xf32>, vector<16xi32>, vector<16xi1>) -> (vector<16xi1>, vector<16xf32>, vector<16xi32>)
      %get3A_181 = arith.constant 8 : i32
      %get3A_182 = arith.index_cast %get3A_181 : i32 to index
      %get3A_183 = arith.constant 0 : index
      %get3A_184 = tpu.vector_load %arg7[%get3A_182, %get3A_183] {strides = array<i32>} : memref<32x16xf32, #tpu.memory_space<vmem>>, vector<16xf32>,
      %get3A_185 = arith.constant 8 : i32
      %get3A_186 = arith.index_cast %get3A_185 : i32 to index
      %get3A_187 = arith.constant 0 : index
      %get3A_188 = tpu.vector_load %arg8[%get3A_186, %get3A_187] {strides = array<i32>} : memref<32x16xi32, #tpu.memory_space<vmem>>, vector<16xi32>,
      %rev3A_189 = arith.constant 15 : i32
      %rev3A_190 = vector.broadcast %rev3A_189 : i32 to vector<16xi32>
      %rev3A_191 = tpu.iota {dimensions = array<i32: 0>} : vector<16xi32>
      %rev3A_192 = arith.subi %rev3A_190, %rev3A_191 : vector<16xi32>
      %rev3A_193 = tpu.dynamic_gather %get3A_184[%rev3A_192] in [0] : vector<16xf32>, vector<16xi32> -> vector<16xf32>
      %rev3A_194 = arith.constant 15 : i32
      %rev3A_195 = vector.broadcast %rev3A_194 : i32 to vector<16xi32>
      %rev3A_196 = tpu.iota {dimensions = array<i32: 0>} : vector<16xi32>
      %rev3A_197 = arith.subi %rev3A_195, %rev3A_196 : vector<16xi32>
      %rev3A_198 = tpu.dynamic_gather %get3A_188[%rev3A_197] in [0] : vector<16xi32>, vector<16xi32> -> vector<16xi32>
      %le3A_199 = arith.cmpf ole, %masked_sort3A_179, %rev3A_193 : vector<16xf32>
      %select_n3A_200 = arith.select %le3A_199, %masked_sort3A_179, %rev3A_193 : vector<16xi1>, vector<16xf32>
      %select_n3A_201 = arith.select %le3A_199, %masked_sort3A_180, %rev3A_198 : vector<16xi1>, vector<16xi32>
      %masked_sort3A_202 = arith.constant dense<true> : vector<16xi1>
      %masked_sort3A_203, %masked_sort3A_204, %masked_sort3A_205 = tpu.sort %select_n3A_200, %select_n3A_201 masked %masked_sort3A_202 : (vector<16xf32>, vector<16xi32>, vector<16xi1>) -> (vector<16xi1>, vector<16xf32>, vector<16xi32>)
      %get3A_206 = arith.constant 9 : i32
      %get3A_207 = arith.index_cast %get3A_206 : i32 to index
      %get3A_208 = arith.constant 0 : index
      %get3A_209 = tpu.vector_load %arg7[%get3A_207, %get3A_208] {strides = array<i32>} : memref<32x16xf32, #tpu.memory_space<vmem>>, vector<16xf32>,
      %get3A_210 = arith.constant 9 : i32
      %get3A_211 = arith.index_cast %get3A_210 : i32 to index
      %get3A_212 = arith.constant 0 : index
      %get3A_213 = tpu.vector_load %arg8[%get3A_211, %get3A_212] {strides = array<i32>} : memref<32x16xi32, #tpu.memory_space<vmem>>, vector<16xi32>,
      %rev3A_214 = arith.constant 15 : i32
      %rev3A_215 = vector.broadcast %rev3A_214 : i32 to vector<16xi32>
      %rev3A_216 = tpu.iota {dimensions = array<i32: 0>} : vector<16xi32>
      %rev3A_217 = arith.subi %rev3A_215, %rev3A_216 : vector<16xi32>
      %rev3A_218 = tpu.dynamic_gather %get3A_209[%rev3A_217] in [0] : vector<16xf32>, vector<16xi32> -> vector<16xf32>
      %rev3A_219 = arith.constant 15 : i32
      %rev3A_220 = vector.broadcast %rev3A_219 : i32 to vector<16xi32>
      %rev3A_221 = tpu.iota {dimensions = array<i32: 0>} : vector<16xi32>
      %rev3A_222 = arith.subi %rev3A_220, %rev3A_221 : vector<16xi32>
      %rev3A_223 = tpu.dynamic_gather %get3A_213[%rev3A_222] in [0] : vector<16xi32>, vector<16xi32> -> vector<16xi32>
      %le3A_224 = arith.cmpf ole, %masked_sort3A_204, %rev3A_218 : vector<16xf32>
      %select_n3A_225 = arith.select %le3A_224, %masked_sort3A_204, %rev3A_218 : vector<16xi1>, vector<16xf32>
      %select_n3A_226 = arith.select %le3A_224, %masked_sort3A_205, %rev3A_223 : vector<16xi1>, vector<16xi32>
      %masked_sort3A_227 = arith.constant dense<true> : vector<16xi1>
      %masked_sort3A_228, %masked_sort3A_229, %masked_sort3A_230 = tpu.sort %select_n3A_225, %select_n3A_226 masked %masked_sort3A_227 : (vector<16xf32>, vector<16xi32>, vector<16xi1>) -> (vector<16xi1>, vector<16xf32>, vector<16xi32>)
      %get3A_231 = arith.constant 10 : i32
      %get3A_232 = arith.index_cast %get3A_231 : i32 to index
      %get3A_233 = arith.constant 0 : index
      %get3A_234 = tpu.vector_load %arg7[%get3A_232, %get3A_233] {strides = array<i32>} : memref<32x16xf32, #tpu.memory_space<vmem>>, vector<16xf32>,
      %get3A_235 = arith.constant 10 : i32
      %get3A_236 = arith.index_cast %get3A_235 : i32 to index
      %get3A_237 = arith.constant 0 : index
      %get3A_238 = tpu.vector_load %arg8[%get3A_236, %get3A_237] {strides = array<i32>} : memref<32x16xi32, #tpu.memory_space<vmem>>, vector<16xi32>,
      %rev3A_239 = arith.constant 15 : i32
      %rev3A_240 = vector.broadcast %rev3A_239 : i32 to vector<16xi32>
      %rev3A_241 = tpu.iota {dimensions = array<i32: 0>} : vector<16xi32>
      %rev3A_242 = arith.subi %rev3A_240, %rev3A_241 : vector<16xi32>
      %rev3A_243 = tpu.dynamic_gather %get3A_234[%rev3A_242] in [0] : vector<16xf32>, vector<16xi32> -> vector<16xf32>
      %rev3A_244 = arith.constant 15 : i32
      %rev3A_245 = vector.broadcast %rev3A_244 : i32 to vector<16xi32>
      %rev3A_246 = tpu.iota {dimensions = array<i32: 0>} : vector<16xi32>
      %rev3A_247 = arith.subi %rev3A_245, %rev3A_246 : vector<16xi32>
      %rev3A_248 = tpu.dynamic_gather %get3A_238[%rev3A_247] in [0] : vector<16xi32>, vector<16xi32> -> vector<16xi32>
      %le3A_249 = arith.cmpf ole, %masked_sort3A_229, %rev3A_243 : vector<16xf32>
      %select_n3A_250 = arith.select %le3A_249, %masked_sort3A_229, %rev3A_243 : vector<16xi1>, vector<16xf32>
      %select_n3A_251 = arith.select %le3A_249, %masked_sort3A_230, %rev3A_248 : vector<16xi1>, vector<16xi32>
      %masked_sort3A_252 = arith.constant dense<true> : vector<16xi1>
      %masked_sort3A_253, %masked_sort3A_254, %masked_sort3A_255 = tpu.sort %select_n3A_250, %select_n3A_251 masked %masked_sort3A_252 : (vector<16xf32>, vector<16xi32>, vector<16xi1>) -> (vector<16xi1>, vector<16xf32>, vector<16xi32>)
      %get3A_256 = arith.constant 11 : i32
      %get3A_257 = arith.index_cast %get3A_256 : i32 to index
      %get3A_258 = arith.constant 0 : index
      %get3A_259 = tpu.vector_load %arg7[%get3A_257, %get3A_258] {strides = array<i32>} : memref<32x16xf32, #tpu.memory_space<vmem>>, vector<16xf32>,
      %get3A_260 = arith.constant 11 : i32
      %get3A_261 = arith.index_cast %get3A_260 : i32 to index
      %get3A_262 = arith.constant 0 : index
      %get3A_263 = tpu.vector_load %arg8[%get3A_261, %get3A_262] {strides = array<i32>} : memref<32x16xi32, #tpu.memory_space<vmem>>, vector<16xi32>,
      %rev3A_264 = arith.constant 15 : i32
      %rev3A_265 = vector.broadcast %rev3A_264 : i32 to vector<16xi32>
      %rev3A_266 = tpu.iota {dimensions = array<i32: 0>} : vector<16xi32>
      %rev3A_267 = arith.subi %rev3A_265, %rev3A_266 : vector<16xi32>
      %rev3A_268 = tpu.dynamic_gather %get3A_259[%rev3A_267] in [0] : vector<16xf32>, vector<16xi32> -> vector<16xf32>
      %rev3A_269 = arith.constant 15 : i32
      %rev3A_270 = vector.broadcast %rev3A_269 : i32 to vector<16xi32>
      %rev3A_271 = tpu.iota {dimensions = array<i32: 0>} : vector<16xi32>
      %rev3A_272 = arith.subi %rev3A_270, %rev3A_271 : vector<16xi32>
      %rev3A_273 = tpu.dynamic_gather %get3A_263[%rev3A_272] in [0] : vector<16xi32>, vector<16xi32> -> vector<16xi32>
      %le3A_274 = arith.cmpf ole, %masked_sort3A_254, %rev3A_268 : vector<16xf32>
      %select_n3A_275 = arith.select %le3A_274, %masked_sort3A_254, %rev3A_268 : vector<16xi1>, vector<16xf32>
      %select_n3A_276 = arith.select %le3A_274, %masked_sort3A_255, %rev3A_273 : vector<16xi1>, vector<16xi32>
      %masked_sort3A_277 = arith.constant dense<true> : vector<16xi1>
      %masked_sort3A_278, %masked_sort3A_279, %masked_sort3A_280 = tpu.sort %select_n3A_275, %select_n3A_276 masked %masked_sort3A_277 : (vector<16xf32>, vector<16xi32>, vector<16xi1>) -> (vector<16xi1>, vector<16xf32>, vector<16xi32>)
      %get3A_281 = arith.constant 12 : i32
      %get3A_282 = arith.index_cast %get3A_281 : i32 to index
      %get3A_283 = arith.constant 0 : index
      %get3A_284 = tpu.vector_load %arg7[%get3A_282, %get3A_283] {strides = array<i32>} : memref<32x16xf32, #tpu.memory_space<vmem>>, vector<16xf32>,
      %get3A_285 = arith.constant 12 : i32
      %get3A_286 = arith.index_cast %get3A_285 : i32 to index
      %get3A_287 = arith.constant 0 : index
      %get3A_288 = tpu.vector_load %arg8[%get3A_286, %get3A_287] {strides = array<i32>} : memref<32x16xi32, #tpu.memory_space<vmem>>, vector<16xi32>,
      %rev3A_289 = arith.constant 15 : i32
      %rev3A_290 = vector.broadcast %rev3A_289 : i32 to vector<16xi32>
      %rev3A_291 = tpu.iota {dimensions = array<i32: 0>} : vector<16xi32>
      %rev3A_292 = arith.subi %rev3A_290, %rev3A_291 : vector<16xi32>
      %rev3A_293 = tpu.dynamic_gather %get3A_284[%rev3A_292] in [0] : vector<16xf32>, vector<16xi32> -> vector<16xf32>
      %rev3A_294 = arith.constant 15 : i32
      %rev3A_295 = vector.broadcast %rev3A_294 : i32 to vector<16xi32>
      %rev3A_296 = tpu.iota {dimensions = array<i32: 0>} : vector<16xi32>
      %rev3A_297 = arith.subi %rev3A_295, %rev3A_296 : vector<16xi32>
      %rev3A_298 = tpu.dynamic_gather %get3A_288[%rev3A_297] in [0] : vector<16xi32>, vector<16xi32> -> vector<16xi32>
      %le3A_299 = arith.cmpf ole, %masked_sort3A_279, %rev3A_293 : vector<16xf32>
      %select_n3A_300 = arith.select %le3A_299, %masked_sort3A_279, %rev3A_293 : vector<16xi1>, vector<16xf32>
      %select_n3A_301 = arith.select %le3A_299, %masked_sort3A_280, %rev3A_298 : vector<16xi1>, vector<16xi32>
      %masked_sort3A_302 = arith.constant dense<true> : vector<16xi1>
      %masked_sort3A_303, %masked_sort3A_304, %masked_sort3A_305 = tpu.sort %select_n3A_300, %select_n3A_301 masked %masked_sort3A_302 : (vector<16xf32>, vector<16xi32>, vector<16xi1>) -> (vector<16xi1>, vector<16xf32>, vector<16xi32>)
      %get3A_306 = arith.constant 13 : i32
      %get3A_307 = arith.index_cast %get3A_306 : i32 to index
      %get3A_308 = arith.constant 0 : index
      %get3A_309 = tpu.vector_load %arg7[%get3A_307, %get3A_308] {strides = array<i32>} : memref<32x16xf32, #tpu.memory_space<vmem>>, vector<16xf32>,
      %get3A_310 = arith.constant 13 : i32
      %get3A_311 = arith.index_cast %get3A_310 : i32 to index
      %get3A_312 = arith.constant 0 : index
      %get3A_313 = tpu.vector_load %arg8[%get3A_311, %get3A_312] {strides = array<i32>} : memref<32x16xi32, #tpu.memory_space<vmem>>, vector<16xi32>,
      %rev3A_314 = arith.constant 15 : i32
      %rev3A_315 = vector.broadcast %rev3A_314 : i32 to vector<16xi32>
      %rev3A_316 = tpu.iota {dimensions = array<i32: 0>} : vector<16xi32>
      %rev3A_317 = arith.subi %rev3A_315, %rev3A_316 : vector<16xi32>
      %rev3A_318 = tpu.dynamic_gather %get3A_309[%rev3A_317] in [0] : vector<16xf32>, vector<16xi32> -> vector<16xf32>
      %rev3A_319 = arith.constant 15 : i32
      %rev3A_320 = vector.broadcast %rev3A_319 : i32 to vector<16xi32>
      %rev3A_321 = tpu.iota {dimensions = array<i32: 0>} : vector<16xi32>
      %rev3A_322 = arith.subi %rev3A_320, %rev3A_321 : vector<16xi32>
      %rev3A_323 = tpu.dynamic_gather %get3A_313[%rev3A_322] in [0] : vector<16xi32>, vector<16xi32> -> vector<16xi32>
      %le3A_324 = arith.cmpf ole, %masked_sort3A_304, %rev3A_318 : vector<16xf32>
      %select_n3A_325 = arith.select %le3A_324, %masked_sort3A_304, %rev3A_318 : vector<16xi1>, vector<16xf32>
      %select_n3A_326 = arith.select %le3A_324, %masked_sort3A_305, %rev3A_323 : vector<16xi1>, vector<16xi32>
      %masked_sort3A_327 = arith.constant dense<true> : vector<16xi1>
      %masked_sort3A_328, %masked_sort3A_329, %masked_sort3A_330 = tpu.sort %select_n3A_325, %select_n3A_326 masked %masked_sort3A_327 : (vector<16xf32>, vector<16xi32>, vector<16xi1>) -> (vector<16xi1>, vector<16xf32>, vector<16xi32>)
      %get3A_331 = arith.constant 14 : i32
      %get3A_332 = arith.index_cast %get3A_331 : i32 to index
      %get3A_333 = arith.constant 0 : index
      %get3A_334 = tpu.vector_load %arg7[%get3A_332, %get3A_333] {strides = array<i32>} : memref<32x16xf32, #tpu.memory_space<vmem>>, vector<16xf32>,
      %get3A_335 = arith.constant 14 : i32
      %get3A_336 = arith.index_cast %get3A_335 : i32 to index
      %get3A_337 = arith.constant 0 : index
      %get3A_338 = tpu.vector_load %arg8[%get3A_336, %get3A_337] {strides = array<i32>} : memref<32x16xi32, #tpu.memory_space<vmem>>, vector<16xi32>,
      %rev3A_339 = arith.constant 15 : i32
      %rev3A_340 = vector.broadcast %rev3A_339 : i32 to vector<16xi32>
      %rev3A_341 = tpu.iota {dimensions = array<i32: 0>} : vector<16xi32>
      %rev3A_342 = arith.subi %rev3A_340, %rev3A_341 : vector<16xi32>
      %rev3A_343 = tpu.dynamic_gather %get3A_334[%rev3A_342] in [0] : vector<16xf32>, vector<16xi32> -> vector<16xf32>
      %rev3A_344 = arith.constant 15 : i32
      %rev3A_345 = vector.broadcast %rev3A_344 : i32 to vector<16xi32>
      %rev3A_346 = tpu.iota {dimensions = array<i32: 0>} : vector<16xi32>
      %rev3A_347 = arith.subi %rev3A_345, %rev3A_346 : vector<16xi32>
      %rev3A_348 = tpu.dynamic_gather %get3A_338[%rev3A_347] in [0] : vector<16xi32>, vector<16xi32> -> vector<16xi32>
      %le3A_349 = arith.cmpf ole, %masked_sort3A_329, %rev3A_343 : vector<16xf32>
      %select_n3A_350 = arith.select %le3A_349, %masked_sort3A_329, %rev3A_343 : vector<16xi1>, vector<16xf32>
      %select_n3A_351 = arith.select %le3A_349, %masked_sort3A_330, %rev3A_348 : vector<16xi1>, vector<16xi32>
      %masked_sort3A_352 = arith.constant dense<true> : vector<16xi1>
      %masked_sort3A_353, %masked_sort3A_354, %masked_sort3A_355 = tpu.sort %select_n3A_350, %select_n3A_351 masked %masked_sort3A_352 : (vector<16xf32>, vector<16xi32>, vector<16xi1>) -> (vector<16xi1>, vector<16xf32>, vector<16xi32>)
      %get3A_356 = arith.constant 15 : i32
      %get3A_357 = arith.index_cast %get3A_356 : i32 to index
      %get3A_358 = arith.constant 0 : index
      %get3A_359 = tpu.vector_load %arg7[%get3A_357, %get3A_358] {strides = array<i32>} : memref<32x16xf32, #tpu.memory_space<vmem>>, vector<16xf32>,
      %get3A_360 = arith.constant 15 : i32
      %get3A_361 = arith.index_cast %get3A_360 : i32 to index
      %get3A_362 = arith.constant 0 : index
      %get3A_363 = tpu.vector_load %arg8[%get3A_361, %get3A_362] {strides = array<i32>} : memref<32x16xi32, #tpu.memory_space<vmem>>, vector<16xi32>,
      %rev3A_364 = arith.constant 15 : i32
      %rev3A_365 = vector.broadcast %rev3A_364 : i32 to vector<16xi32>
      %rev3A_366 = tpu.iota {dimensions = array<i32: 0>} : vector<16xi32>
      %rev3A_367 = arith.subi %rev3A_365, %rev3A_366 : vector<16xi32>
      %rev3A_368 = tpu.dynamic_gather %get3A_359[%rev3A_367] in [0] : vector<16xf32>, vector<16xi32> -> vector<16xf32>
      %rev3A_369 = arith.constant 15 : i32
      %rev3A_370 = vector.broadcast %rev3A_369 : i32 to vector<16xi32>
      %rev3A_371 = tpu.iota {dimensions = array<i32: 0>} : vector<16xi32>
      %rev3A_372 = arith.subi %rev3A_370, %rev3A_371 : vector<16xi32>
      %rev3A_373 = tpu.dynamic_gather %get3A_363[%rev3A_372] in [0] : vector<16xi32>, vector<16xi32> -> vector<16xi32>
      %le3A_374 = arith.cmpf ole, %masked_sort3A_354, %rev3A_368 : vector<16xf32>
      %select_n3A_375 = arith.select %le3A_374, %masked_sort3A_354, %rev3A_368 : vector<16xi1>, vector<16xf32>
      %select_n3A_376 = arith.select %le3A_374, %masked_sort3A_355, %rev3A_373 : vector<16xi1>, vector<16xi32>
      %masked_sort3A_377 = arith.constant dense<true> : vector<16xi1>
      %masked_sort3A_378, %masked_sort3A_379, %masked_sort3A_380 = tpu.sort %select_n3A_375, %select_n3A_376 masked %masked_sort3A_377 : (vector<16xf32>, vector<16xi32>, vector<16xi1>) -> (vector<16xi1>, vector<16xf32>, vector<16xi32>)
      %get3A_381 = arith.constant 16 : i32
      %get3A_382 = arith.index_cast %get3A_381 : i32 to index
      %get3A_383 = arith.constant 0 : index
      %get3A_384 = tpu.vector_load %arg7[%get3A_382, %get3A_383] {strides = array<i32>} : memref<32x16xf32, #tpu.memory_space<vmem>>, vector<16xf32>,
      %get3A_385 = arith.constant 16 : i32
      %get3A_386 = arith.index_cast %get3A_385 : i32 to index
      %get3A_387 = arith.constant 0 : index
      %get3A_388 = tpu.vector_load %arg8[%get3A_386, %get3A_387] {strides = array<i32>} : memref<32x16xi32, #tpu.memory_space<vmem>>, vector<16xi32>,
      %rev3A_389 = arith.constant 15 : i32
      %rev3A_390 = vector.broadcast %rev3A_389 : i32 to vector<16xi32>
      %rev3A_391 = tpu.iota {dimensions = array<i32: 0>} : vector<16xi32>
      %rev3A_392 = arith.subi %rev3A_390, %rev3A_391 : vector<16xi32>
      %rev3A_393 = tpu.dynamic_gather %get3A_384[%rev3A_392] in [0] : vector<16xf32>, vector<16xi32> -> vector<16xf32>
      %rev3A_394 = arith.constant 15 : i32
      %rev3A_395 = vector.broadcast %rev3A_394 : i32 to vector<16xi32>
      %rev3A_396 = tpu.iota {dimensions = array<i32: 0>} : vector<16xi32>
      %rev3A_397 = arith.subi %rev3A_395, %rev3A_396 : vector<16xi32>
      %rev3A_398 = tpu.dynamic_gather %get3A_388[%rev3A_397] in [0] : vector<16xi32>, vector<16xi32> -> vector<16xi32>
      %le3A_399 = arith.cmpf ole, %masked_sort3A_379, %rev3A_393 : vector<16xf32>
      %select_n3A_400 = arith.select %le3A_399, %masked_sort3A_379, %rev3A_393 : vector<16xi1>, vector<16xf32>
      %select_n3A_401 = arith.select %le3A_399, %masked_sort3A_380, %rev3A_398 : vector<16xi1>, vector<16xi32>
      %masked_sort3A_402 = arith.constant dense<true> : vector<16xi1>
      %masked_sort3A_403, %masked_sort3A_404, %masked_sort3A_405 = tpu.sort %select_n3A_400, %select_n3A_401 masked %masked_sort3A_402 : (vector<16xf32>, vector<16xi32>, vector<16xi1>) -> (vector<16xi1>, vector<16xf32>, vector<16xi32>)
      %get3A_406 = arith.constant 17 : i32
      %get3A_407 = arith.index_cast %get3A_406 : i32 to index
      %get3A_408 = arith.constant 0 : index
      %get3A_409 = tpu.vector_load %arg7[%get3A_407, %get3A_408] {strides = array<i32>} : memref<32x16xf32, #tpu.memory_space<vmem>>, vector<16xf32>,
      %get3A_410 = arith.constant 17 : i32
      %get3A_411 = arith.index_cast %get3A_410 : i32 to index
      %get3A_412 = arith.constant 0 : index
      %get3A_413 = tpu.vector_load %arg8[%get3A_411, %get3A_412] {strides = array<i32>} : memref<32x16xi32, #tpu.memory_space<vmem>>, vector<16xi32>,
      %rev3A_414 = arith.constant 15 : i32
      %rev3A_415 = vector.broadcast %rev3A_414 : i32 to vector<16xi32>
      %rev3A_416 = tpu.iota {dimensions = array<i32: 0>} : vector<16xi32>
      %rev3A_417 = arith.subi %rev3A_415, %rev3A_416 : vector<16xi32>
      %rev3A_418 = tpu.dynamic_gather %get3A_409[%rev3A_417] in [0] : vector<16xf32>, vector<16xi32> -> vector<16xf32>
      %rev3A_419 = arith.constant 15 : i32
      %rev3A_420 = vector.broadcast %rev3A_419 : i32 to vector<16xi32>
      %rev3A_421 = tpu.iota {dimensions = array<i32: 0>} : vector<16xi32>
      %rev3A_422 = arith.subi %rev3A_420, %rev3A_421 : vector<16xi32>
      %rev3A_423 = tpu.dynamic_gather %get3A_413[%rev3A_422] in [0] : vector<16xi32>, vector<16xi32> -> vector<16xi32>
      %le3A_424 = arith.cmpf ole, %masked_sort3A_404, %rev3A_418 : vector<16xf32>
      %select_n3A_425 = arith.select %le3A_424, %masked_sort3A_404, %rev3A_418 : vector<16xi1>, vector<16xf32>
      %select_n3A_426 = arith.select %le3A_424, %masked_sort3A_405, %rev3A_423 : vector<16xi1>, vector<16xi32>
      %masked_sort3A_427 = arith.constant dense<true> : vector<16xi1>
      %masked_sort3A_428, %masked_sort3A_429, %masked_sort3A_430 = tpu.sort %select_n3A_425, %select_n3A_426 masked %masked_sort3A_427 : (vector<16xf32>, vector<16xi32>, vector<16xi1>) -> (vector<16xi1>, vector<16xf32>, vector<16xi32>)
      %get3A_431 = arith.constant 18 : i32
      %get3A_432 = arith.index_cast %get3A_431 : i32 to index
      %get3A_433 = arith.constant 0 : index
      %get3A_434 = tpu.vector_load %arg7[%get3A_432, %get3A_433] {strides = array<i32>} : memref<32x16xf32, #tpu.memory_space<vmem>>, vector<16xf32>,
      %get3A_435 = arith.constant 18 : i32
      %get3A_436 = arith.index_cast %get3A_435 : i32 to index
      %get3A_437 = arith.constant 0 : index
      %get3A_438 = tpu.vector_load %arg8[%get3A_436, %get3A_437] {strides = array<i32>} : memref<32x16xi32, #tpu.memory_space<vmem>>, vector<16xi32>,
      %rev3A_439 = arith.constant 15 : i32
      %rev3A_440 = vector.broadcast %rev3A_439 : i32 to vector<16xi32>
      %rev3A_441 = tpu.iota {dimensions = array<i32: 0>} : vector<16xi32>
      %rev3A_442 = arith.subi %rev3A_440, %rev3A_441 : vector<16xi32>
      %rev3A_443 = tpu.dynamic_gather %get3A_434[%rev3A_442] in [0] : vector<16xf32>, vector<16xi32> -> vector<16xf32>
      %rev3A_444 = arith.constant 15 : i32
      %rev3A_445 = vector.broadcast %rev3A_444 : i32 to vector<16xi32>
      %rev3A_446 = tpu.iota {dimensions = array<i32: 0>} : vector<16xi32>
      %rev3A_447 = arith.subi %rev3A_445, %rev3A_446 : vector<16xi32>
      %rev3A_448 = tpu.dynamic_gather %get3A_438[%rev3A_447] in [0] : vector<16xi32>, vector<16xi32> -> vector<16xi32>
      %le3A_449 = arith.cmpf ole, %masked_sort3A_429, %rev3A_443 : vector<16xf32>
      %select_n3A_450 = arith.select %le3A_449, %masked_sort3A_429, %rev3A_443 : vector<16xi1>, vector<16xf32>
      %select_n3A_451 = arith.select %le3A_449, %masked_sort3A_430, %rev3A_448 : vector<16xi1>, vector<16xi32>
      %masked_sort3A_452 = arith.constant dense<true> : vector<16xi1>
      %masked_sort3A_453, %masked_sort3A_454, %masked_sort3A_455 = tpu.sort %select_n3A_450, %select_n3A_451 masked %masked_sort3A_452 : (vector<16xf32>, vector<16xi32>, vector<16xi1>) -> (vector<16xi1>, vector<16xf32>, vector<16xi32>)
      %get3A_456 = arith.constant 19 : i32
      %get3A_457 = arith.index_cast %get3A_456 : i32 to index
      %get3A_458 = arith.constant 0 : index
      %get3A_459 = tpu.vector_load %arg7[%get3A_457, %get3A_458] {strides = array<i32>} : memref<32x16xf32, #tpu.memory_space<vmem>>, vector<16xf32>,
      %get3A_460 = arith.constant 19 : i32
      %get3A_461 = arith.index_cast %get3A_460 : i32 to index
      %get3A_462 = arith.constant 0 : index
      %get3A_463 = tpu.vector_load %arg8[%get3A_461, %get3A_462] {strides = array<i32>} : memref<32x16xi32, #tpu.memory_space<vmem>>, vector<16xi32>,
      %rev3A_464 = arith.constant 15 : i32
      %rev3A_465 = vector.broadcast %rev3A_464 : i32 to vector<16xi32>
      %rev3A_466 = tpu.iota {dimensions = array<i32: 0>} : vector<16xi32>
      %rev3A_467 = arith.subi %rev3A_465, %rev3A_466 : vector<16xi32>
      %rev3A_468 = tpu.dynamic_gather %get3A_459[%rev3A_467] in [0] : vector<16xf32>, vector<16xi32> -> vector<16xf32>
      %rev3A_469 = arith.constant 15 : i32
      %rev3A_470 = vector.broadcast %rev3A_469 : i32 to vector<16xi32>
      %rev3A_471 = tpu.iota {dimensions = array<i32: 0>} : vector<16xi32>
      %rev3A_472 = arith.subi %rev3A_470, %rev3A_471 : vector<16xi32>
      %rev3A_473 = tpu.dynamic_gather %get3A_463[%rev3A_472] in [0] : vector<16xi32>, vector<16xi32> -> vector<16xi32>
      %le3A_474 = arith.cmpf ole, %masked_sort3A_454, %rev3A_468 : vector<16xf32>
      %select_n3A_475 = arith.select %le3A_474, %masked_sort3A_454, %rev3A_468 : vector<16xi1>, vector<16xf32>
      %select_n3A_476 = arith.select %le3A_474, %masked_sort3A_455, %rev3A_473 : vector<16xi1>, vector<16xi32>
      %masked_sort3A_477 = arith.constant dense<true> : vector<16xi1>
      %masked_sort3A_478, %masked_sort3A_479, %masked_sort3A_480 = tpu.sort %select_n3A_475, %select_n3A_476 masked %masked_sort3A_477 : (vector<16xf32>, vector<16xi32>, vector<16xi1>) -> (vector<16xi1>, vector<16xf32>, vector<16xi32>)
      %get3A_481 = arith.constant 20 : i32
      %get3A_482 = arith.index_cast %get3A_481 : i32 to index
      %get3A_483 = arith.constant 0 : index
      %get3A_484 = tpu.vector_load %arg7[%get3A_482, %get3A_483] {strides = array<i32>} : memref<32x16xf32, #tpu.memory_space<vmem>>, vector<16xf32>,
      %get3A_485 = arith.constant 20 : i32
      %get3A_486 = arith.index_cast %get3A_485 : i32 to index
      %get3A_487 = arith.constant 0 : index
      %get3A_488 = tpu.vector_load %arg8[%get3A_486, %get3A_487] {strides = array<i32>} : memref<32x16xi32, #tpu.memory_space<vmem>>, vector<16xi32>,
      %rev3A_489 = arith.constant 15 : i32
      %rev3A_490 = vector.broadcast %rev3A_489 : i32 to vector<16xi32>
      %rev3A_491 = tpu.iota {dimensions = array<i32: 0>} : vector<16xi32>
      %rev3A_492 = arith.subi %rev3A_490, %rev3A_491 : vector<16xi32>
      %rev3A_493 = tpu.dynamic_gather %get3A_484[%rev3A_492] in [0] : vector<16xf32>, vector<16xi32> -> vector<16xf32>
      %rev3A_494 = arith.constant 15 : i32
      %rev3A_495 = vector.broadcast %rev3A_494 : i32 to vector<16xi32>
      %rev3A_496 = tpu.iota {dimensions = array<i32: 0>} : vector<16xi32>
      %rev3A_497 = arith.subi %rev3A_495, %rev3A_496 : vector<16xi32>
      %rev3A_498 = tpu.dynamic_gather %get3A_488[%rev3A_497] in [0] : vector<16xi32>, vector<16xi32> -> vector<16xi32>
      %le3A_499 = arith.cmpf ole, %masked_sort3A_479, %rev3A_493 : vector<16xf32>
      %select_n3A_500 = arith.select %le3A_499, %masked_sort3A_479, %rev3A_493 : vector<16xi1>, vector<16xf32>
      %select_n3A_501 = arith.select %le3A_499, %masked_sort3A_480, %rev3A_498 : vector<16xi1>, vector<16xi32>
      %masked_sort3A_502 = arith.constant dense<true> : vector<16xi1>
      %masked_sort3A_503, %masked_sort3A_504, %masked_sort3A_505 = tpu.sort %select_n3A_500, %select_n3A_501 masked %masked_sort3A_502 : (vector<16xf32>, vector<16xi32>, vector<16xi1>) -> (vector<16xi1>, vector<16xf32>, vector<16xi32>)
      %get3A_506 = arith.constant 21 : i32
      %get3A_507 = arith.index_cast %get3A_506 : i32 to index
      %get3A_508 = arith.constant 0 : index
      %get3A_509 = tpu.vector_load %arg7[%get3A_507, %get3A_508] {strides = array<i32>} : memref<32x16xf32, #tpu.memory_space<vmem>>, vector<16xf32>,
      %get3A_510 = arith.constant 21 : i32
      %get3A_511 = arith.index_cast %get3A_510 : i32 to index
      %get3A_512 = arith.constant 0 : index
      %get3A_513 = tpu.vector_load %arg8[%get3A_511, %get3A_512] {strides = array<i32>} : memref<32x16xi32, #tpu.memory_space<vmem>>, vector<16xi32>,
      %rev3A_514 = arith.constant 15 : i32
      %rev3A_515 = vector.broadcast %rev3A_514 : i32 to vector<16xi32>
      %rev3A_516 = tpu.iota {dimensions = array<i32: 0>} : vector<16xi32>
      %rev3A_517 = arith.subi %rev3A_515, %rev3A_516 : vector<16xi32>
      %rev3A_518 = tpu.dynamic_gather %get3A_509[%rev3A_517] in [0] : vector<16xf32>, vector<16xi32> -> vector<16xf32>
      %rev3A_519 = arith.constant 15 : i32
      %rev3A_520 = vector.broadcast %rev3A_519 : i32 to vector<16xi32>
      %rev3A_521 = tpu.iota {dimensions = array<i32: 0>} : vector<16xi32>
      %rev3A_522 = arith.subi %rev3A_520, %rev3A_521 : vector<16xi32>
      %rev3A_523 = tpu.dynamic_gather %get3A_513[%rev3A_522] in [0] : vector<16xi32>, vector<16xi32> -> vector<16xi32>
      %le3A_524 = arith.cmpf ole, %masked_sort3A_504, %rev3A_518 : vector<16xf32>
      %select_n3A_525 = arith.select %le3A_524, %masked_sort3A_504, %rev3A_518 : vector<16xi1>, vector<16xf32>
      %select_n3A_526 = arith.select %le3A_524, %masked_sort3A_505, %rev3A_523 : vector<16xi1>, vector<16xi32>
      %masked_sort3A_527 = arith.constant dense<true> : vector<16xi1>
      %masked_sort3A_528, %masked_sort3A_529, %masked_sort3A_530 = tpu.sort %select_n3A_525, %select_n3A_526 masked %masked_sort3A_527 : (vector<16xf32>, vector<16xi32>, vector<16xi1>) -> (vector<16xi1>, vector<16xf32>, vector<16xi32>)
      %get3A_531 = arith.constant 22 : i32
      %get3A_532 = arith.index_cast %get3A_531 : i32 to index
      %get3A_533 = arith.constant 0 : index
      %get3A_534 = tpu.vector_load %arg7[%get3A_532, %get3A_533] {strides = array<i32>} : memref<32x16xf32, #tpu.memory_space<vmem>>, vector<16xf32>,
      %get3A_535 = arith.constant 22 : i32
      %get3A_536 = arith.index_cast %get3A_535 : i32 to index
      %get3A_537 = arith.constant 0 : index
      %get3A_538 = tpu.vector_load %arg8[%get3A_536, %get3A_537] {strides = array<i32>} : memref<32x16xi32, #tpu.memory_space<vmem>>, vector<16xi32>,
      %rev3A_539 = arith.constant 15 : i32
      %rev3A_540 = vector.broadcast %rev3A_539 : i32 to vector<16xi32>
      %rev3A_541 = tpu.iota {dimensions = array<i32: 0>} : vector<16xi32>
      %rev3A_542 = arith.subi %rev3A_540, %rev3A_541 : vector<16xi32>
      %rev3A_543 = tpu.dynamic_gather %get3A_534[%rev3A_542] in [0] : vector<16xf32>, vector<16xi32> -> vector<16xf32>
      %rev3A_544 = arith.constant 15 : i32
      %rev3A_545 = vector.broadcast %rev3A_544 : i32 to vector<16xi32>
      %rev3A_546 = tpu.iota {dimensions = array<i32: 0>} : vector<16xi32>
      %rev3A_547 = arith.subi %rev3A_545, %rev3A_546 : vector<16xi32>
      %rev3A_548 = tpu.dynamic_gather %get3A_538[%rev3A_547] in [0] : vector<16xi32>, vector<16xi32> -> vector<16xi32>
      %le3A_549 = arith.cmpf ole, %masked_sort3A_529, %rev3A_543 : vector<16xf32>
      %select_n3A_550 = arith.select %le3A_549, %masked_sort3A_529, %rev3A_543 : vector<16xi1>, vector<16xf32>
      %select_n3A_551 = arith.select %le3A_549, %masked_sort3A_530, %rev3A_548 : vector<16xi1>, vector<16xi32>
      %masked_sort3A_552 = arith.constant dense<true> : vector<16xi1>
      %masked_sort3A_553, %masked_sort3A_554, %masked_sort3A_555 = tpu.sort %select_n3A_550, %select_n3A_551 masked %masked_sort3A_552 : (vector<16xf32>, vector<16xi32>, vector<16xi1>) -> (vector<16xi1>, vector<16xf32>, vector<16xi32>)
      %get3A_556 = arith.constant 23 : i32
      %get3A_557 = arith.index_cast %get3A_556 : i32 to index
      %get3A_558 = arith.constant 0 : index
      %get3A_559 = tpu.vector_load %arg7[%get3A_557, %get3A_558] {strides = array<i32>} : memref<32x16xf32, #tpu.memory_space<vmem>>, vector<16xf32>,
      %get3A_560 = arith.constant 23 : i32
      %get3A_561 = arith.index_cast %get3A_560 : i32 to index
      %get3A_562 = arith.constant 0 : index
      %get3A_563 = tpu.vector_load %arg8[%get3A_561, %get3A_562] {strides = array<i32>} : memref<32x16xi32, #tpu.memory_space<vmem>>, vector<16xi32>,
      %rev3A_564 = arith.constant 15 : i32
      %rev3A_565 = vector.broadcast %rev3A_564 : i32 to vector<16xi32>
      %rev3A_566 = tpu.iota {dimensions = array<i32: 0>} : vector<16xi32>
      %rev3A_567 = arith.subi %rev3A_565, %rev3A_566 : vector<16xi32>
      %rev3A_568 = tpu.dynamic_gather %get3A_559[%rev3A_567] in [0] : vector<16xf32>, vector<16xi32> -> vector<16xf32>
      %rev3A_569 = arith.constant 15 : i32
      %rev3A_570 = vector.broadcast %rev3A_569 : i32 to vector<16xi32>
      %rev3A_571 = tpu.iota {dimensions = array<i32: 0>} : vector<16xi32>
      %rev3A_572 = arith.subi %rev3A_570, %rev3A_571 : vector<16xi32>
      %rev3A_573 = tpu.dynamic_gather %get3A_563[%rev3A_572] in [0] : vector<16xi32>, vector<16xi32> -> vector<16xi32>
      %le3A_574 = arith.cmpf ole, %masked_sort3A_554, %rev3A_568 : vector<16xf32>
      %select_n3A_575 = arith.select %le3A_574, %masked_sort3A_554, %rev3A_568 : vector<16xi1>, vector<16xf32>
      %select_n3A_576 = arith.select %le3A_574, %masked_sort3A_555, %rev3A_573 : vector<16xi1>, vector<16xi32>
      %masked_sort3A_577 = arith.constant dense<true> : vector<16xi1>
      %masked_sort3A_578, %masked_sort3A_579, %masked_sort3A_580 = tpu.sort %select_n3A_575, %select_n3A_576 masked %masked_sort3A_577 : (vector<16xf32>, vector<16xi32>, vector<16xi1>) -> (vector<16xi1>, vector<16xf32>, vector<16xi32>)
      %get3A_581 = arith.constant 24 : i32
      %get3A_582 = arith.index_cast %get3A_581 : i32 to index
      %get3A_583 = arith.constant 0 : index
      %get3A_584 = tpu.vector_load %arg7[%get3A_582, %get3A_583] {strides = array<i32>} : memref<32x16xf32, #tpu.memory_space<vmem>>, vector<16xf32>,
      %get3A_585 = arith.constant 24 : i32
      %get3A_586 = arith.index_cast %get3A_585 : i32 to index
      %get3A_587 = arith.constant 0 : index
      %get3A_588 = tpu.vector_load %arg8[%get3A_586, %get3A_587] {strides = array<i32>} : memref<32x16xi32, #tpu.memory_space<vmem>>, vector<16xi32>,
      %rev3A_589 = arith.constant 15 : i32
      %rev3A_590 = vector.broadcast %rev3A_589 : i32 to vector<16xi32>
      %rev3A_591 = tpu.iota {dimensions = array<i32: 0>} : vector<16xi32>
      %rev3A_592 = arith.subi %rev3A_590, %rev3A_591 : vector<16xi32>
      %rev3A_593 = tpu.dynamic_gather %get3A_584[%rev3A_592] in [0] : vector<16xf32>, vector<16xi32> -> vector<16xf32>
      %rev3A_594 = arith.constant 15 : i32
      %rev3A_595 = vector.broadcast %rev3A_594 : i32 to vector<16xi32>
      %rev3A_596 = tpu.iota {dimensions = array<i32: 0>} : vector<16xi32>
      %rev3A_597 = arith.subi %rev3A_595, %rev3A_596 : vector<16xi32>
      %rev3A_598 = tpu.dynamic_gather %get3A_588[%rev3A_597] in [0] : vector<16xi32>, vector<16xi32> -> vector<16xi32>
      %le3A_599 = arith.cmpf ole, %masked_sort3A_579, %rev3A_593 : vector<16xf32>
      %select_n3A_600 = arith.select %le3A_599, %masked_sort3A_579, %rev3A_593 : vector<16xi1>, vector<16xf32>
      %select_n3A_601 = arith.select %le3A_599, %masked_sort3A_580, %rev3A_598 : vector<16xi1>, vector<16xi32>
      %masked_sort3A_602 = arith.constant dense<true> : vector<16xi1>
      %masked_sort3A_603, %masked_sort3A_604, %masked_sort3A_605 = tpu.sort %select_n3A_600, %select_n3A_601 masked %masked_sort3A_602 : (vector<16xf32>, vector<16xi32>, vector<16xi1>) -> (vector<16xi1>, vector<16xf32>, vector<16xi32>)
      %get3A_606 = arith.constant 25 : i32
      %get3A_607 = arith.index_cast %get3A_606 : i32 to index
      %get3A_608 = arith.constant 0 : index
      %get3A_609 = tpu.vector_load %arg7[%get3A_607, %get3A_608] {strides = array<i32>} : memref<32x16xf32, #tpu.memory_space<vmem>>, vector<16xf32>,
      %get3A_610 = arith.constant 25 : i32
      %get3A_611 = arith.index_cast %get3A_610 : i32 to index
      %get3A_612 = arith.constant 0 : index
      %get3A_613 = tpu.vector_load %arg8[%get3A_611, %get3A_612] {strides = array<i32>} : memref<32x16xi32, #tpu.memory_space<vmem>>, vector<16xi32>,
      %rev3A_614 = arith.constant 15 : i32
      %rev3A_615 = vector.broadcast %rev3A_614 : i32 to vector<16xi32>
      %rev3A_616 = tpu.iota {dimensions = array<i32: 0>} : vector<16xi32>
      %rev3A_617 = arith.subi %rev3A_615, %rev3A_616 : vector<16xi32>
      %rev3A_618 = tpu.dynamic_gather %get3A_609[%rev3A_617] in [0] : vector<16xf32>, vector<16xi32> -> vector<16xf32>
      %rev3A_619 = arith.constant 15 : i32
      %rev3A_620 = vector.broadcast %rev3A_619 : i32 to vector<16xi32>
      %rev3A_621 = tpu.iota {dimensions = array<i32: 0>} : vector<16xi32>
      %rev3A_622 = arith.subi %rev3A_620, %rev3A_621 : vector<16xi32>
      %rev3A_623 = tpu.dynamic_gather %get3A_613[%rev3A_622] in [0] : vector<16xi32>, vector<16xi32> -> vector<16xi32>
      %le3A_624 = arith.cmpf ole, %masked_sort3A_604, %rev3A_618 : vector<16xf32>
      %select_n3A_625 = arith.select %le3A_624, %masked_sort3A_604, %rev3A_618 : vector<16xi1>, vector<16xf32>
      %select_n3A_626 = arith.select %le3A_624, %masked_sort3A_605, %rev3A_623 : vector<16xi1>, vector<16xi32>
      %masked_sort3A_627 = arith.constant dense<true> : vector<16xi1>
      %masked_sort3A_628, %masked_sort3A_629, %masked_sort3A_630 = tpu.sort %select_n3A_625, %select_n3A_626 masked %masked_sort3A_627 : (vector<16xf32>, vector<16xi32>, vector<16xi1>) -> (vector<16xi1>, vector<16xf32>, vector<16xi32>)
      %get3A_631 = arith.constant 26 : i32
      %get3A_632 = arith.index_cast %get3A_631 : i32 to index
      %get3A_633 = arith.constant 0 : index
      %get3A_634 = tpu.vector_load %arg7[%get3A_632, %get3A_633] {strides = array<i32>} : memref<32x16xf32, #tpu.memory_space<vmem>>, vector<16xf32>,
      %get3A_635 = arith.constant 26 : i32
      %get3A_636 = arith.index_cast %get3A_635 : i32 to index
      %get3A_637 = arith.constant 0 : index
      %get3A_638 = tpu.vector_load %arg8[%get3A_636, %get3A_637] {strides = array<i32>} : memref<32x16xi32, #tpu.memory_space<vmem>>, vector<16xi32>,
      %rev3A_639 = arith.constant 15 : i32
      %rev3A_640 = vector.broadcast %rev3A_639 : i32 to vector<16xi32>
      %rev3A_641 = tpu.iota {dimensions = array<i32: 0>} : vector<16xi32>
      %rev3A_642 = arith.subi %rev3A_640, %rev3A_641 : vector<16xi32>
      %rev3A_643 = tpu.dynamic_gather %get3A_634[%rev3A_642] in [0] : vector<16xf32>, vector<16xi32> -> vector<16xf32>
      %rev3A_644 = arith.constant 15 : i32
      %rev3A_645 = vector.broadcast %rev3A_644 : i32 to vector<16xi32>
      %rev3A_646 = tpu.iota {dimensions = array<i32: 0>} : vector<16xi32>
      %rev3A_647 = arith.subi %rev3A_645, %rev3A_646 : vector<16xi32>
      %rev3A_648 = tpu.dynamic_gather %get3A_638[%rev3A_647] in [0] : vector<16xi32>, vector<16xi32> -> vector<16xi32>
      %le3A_649 = arith.cmpf ole, %masked_sort3A_629, %rev3A_643 : vector<16xf32>
      %select_n3A_650 = arith.select %le3A_649, %masked_sort3A_629, %rev3A_643 : vector<16xi1>, vector<16xf32>
      %select_n3A_651 = arith.select %le3A_649, %masked_sort3A_630, %rev3A_648 : vector<16xi1>, vector<16xi32>
      %masked_sort3A_652 = arith.constant dense<true> : vector<16xi1>
      %masked_sort3A_653, %masked_sort3A_654, %masked_sort3A_655 = tpu.sort %select_n3A_650, %select_n3A_651 masked %masked_sort3A_652 : (vector<16xf32>, vector<16xi32>, vector<16xi1>) -> (vector<16xi1>, vector<16xf32>, vector<16xi32>)
      %get3A_656 = arith.constant 27 : i32
      %get3A_657 = arith.index_cast %get3A_656 : i32 to index
      %get3A_658 = arith.constant 0 : index
      %get3A_659 = tpu.vector_load %arg7[%get3A_657, %get3A_658] {strides = array<i32>} : memref<32x16xf32, #tpu.memory_space<vmem>>, vector<16xf32>,
      %get3A_660 = arith.constant 27 : i32
      %get3A_661 = arith.index_cast %get3A_660 : i32 to index
      %get3A_662 = arith.constant 0 : index
      %get3A_663 = tpu.vector_load %arg8[%get3A_661, %get3A_662] {strides = array<i32>} : memref<32x16xi32, #tpu.memory_space<vmem>>, vector<16xi32>,
      %rev3A_664 = arith.constant 15 : i32
      %rev3A_665 = vector.broadcast %rev3A_664 : i32 to vector<16xi32>
      %rev3A_666 = tpu.iota {dimensions = array<i32: 0>} : vector<16xi32>
      %rev3A_667 = arith.subi %rev3A_665, %rev3A_666 : vector<16xi32>
      %rev3A_668 = tpu.dynamic_gather %get3A_659[%rev3A_667] in [0] : vector<16xf32>, vector<16xi32> -> vector<16xf32>
      %rev3A_669 = arith.constant 15 : i32
      %rev3A_670 = vector.broadcast %rev3A_669 : i32 to vector<16xi32>
      %rev3A_671 = tpu.iota {dimensions = array<i32: 0>} : vector<16xi32>
      %rev3A_672 = arith.subi %rev3A_670, %rev3A_671 : vector<16xi32>
      %rev3A_673 = tpu.dynamic_gather %get3A_663[%rev3A_672] in [0] : vector<16xi32>, vector<16xi32> -> vector<16xi32>
      %le3A_674 = arith.cmpf ole, %masked_sort3A_654, %rev3A_668 : vector<16xf32>
      %select_n3A_675 = arith.select %le3A_674, %masked_sort3A_654, %rev3A_668 : vector<16xi1>, vector<16xf32>
      %select_n3A_676 = arith.select %le3A_674, %masked_sort3A_655, %rev3A_673 : vector<16xi1>, vector<16xi32>
      %masked_sort3A_677 = arith.constant dense<true> : vector<16xi1>
      %masked_sort3A_678, %masked_sort3A_679, %masked_sort3A_680 = tpu.sort %select_n3A_675, %select_n3A_676 masked %masked_sort3A_677 : (vector<16xf32>, vector<16xi32>, vector<16xi1>) -> (vector<16xi1>, vector<16xf32>, vector<16xi32>)
      %get3A_681 = arith.constant 28 : i32
      %get3A_682 = arith.index_cast %get3A_681 : i32 to index
      %get3A_683 = arith.constant 0 : index
      %get3A_684 = tpu.vector_load %arg7[%get3A_682, %get3A_683] {strides = array<i32>} : memref<32x16xf32, #tpu.memory_space<vmem>>, vector<16xf32>,
      %get3A_685 = arith.constant 28 : i32
      %get3A_686 = arith.index_cast %get3A_685 : i32 to index
      %get3A_687 = arith.constant 0 : index
      %get3A_688 = tpu.vector_load %arg8[%get3A_686, %get3A_687] {strides = array<i32>} : memref<32x16xi32, #tpu.memory_space<vmem>>, vector<16xi32>,
      %rev3A_689 = arith.constant 15 : i32
      %rev3A_690 = vector.broadcast %rev3A_689 : i32 to vector<16xi32>
      %rev3A_691 = tpu.iota {dimensions = array<i32: 0>} : vector<16xi32>
      %rev3A_692 = arith.subi %rev3A_690, %rev3A_691 : vector<16xi32>
      %rev3A_693 = tpu.dynamic_gather %get3A_684[%rev3A_692] in [0] : vector<16xf32>, vector<16xi32> -> vector<16xf32>
      %rev3A_694 = arith.constant 15 : i32
      %rev3A_695 = vector.broadcast %rev3A_694 : i32 to vector<16xi32>
      %rev3A_696 = tpu.iota {dimensions = array<i32: 0>} : vector<16xi32>
      %rev3A_697 = arith.subi %rev3A_695, %rev3A_696 : vector<16xi32>
      %rev3A_698 = tpu.dynamic_gather %get3A_688[%rev3A_697] in [0] : vector<16xi32>, vector<16xi32> -> vector<16xi32>
      %le3A_699 = arith.cmpf ole, %masked_sort3A_679, %rev3A_693 : vector<16xf32>
      %select_n3A_700 = arith.select %le3A_699, %masked_sort3A_679, %rev3A_693 : vector<16xi1>, vector<16xf32>
      %select_n3A_701 = arith.select %le3A_699, %masked_sort3A_680, %rev3A_698 : vector<16xi1>, vector<16xi32>
      %masked_sort3A_702 = arith.constant dense<true> : vector<16xi1>
      %masked_sort3A_703, %masked_sort3A_704, %masked_sort3A_705 = tpu.sort %select_n3A_700, %select_n3A_701 masked %masked_sort3A_702 : (vector<16xf32>, vector<16xi32>, vector<16xi1>) -> (vector<16xi1>, vector<16xf32>, vector<16xi32>)
      %get3A_706 = arith.constant 29 : i32
      %get3A_707 = arith.index_cast %get3A_706 : i32 to index
      %get3A_708 = arith.constant 0 : index
      %get3A_709 = tpu.vector_load %arg7[%get3A_707, %get3A_708] {strides = array<i32>} : memref<32x16xf32, #tpu.memory_space<vmem>>, vector<16xf32>,
      %get3A_710 = arith.constant 29 : i32
      %get3A_711 = arith.index_cast %get3A_710 : i32 to index
      %get3A_712 = arith.constant 0 : index
      %get3A_713 = tpu.vector_load %arg8[%get3A_711, %get3A_712] {strides = array<i32>} : memref<32x16xi32, #tpu.memory_space<vmem>>, vector<16xi32>,
      %rev3A_714 = arith.constant 15 : i32
      %rev3A_715 = vector.broadcast %rev3A_714 : i32 to vector<16xi32>
      %rev3A_716 = tpu.iota {dimensions = array<i32: 0>} : vector<16xi32>
      %rev3A_717 = arith.subi %rev3A_715, %rev3A_716 : vector<16xi32>
      %rev3A_718 = tpu.dynamic_gather %get3A_709[%rev3A_717] in [0] : vector<16xf32>, vector<16xi32> -> vector<16xf32>
      %rev3A_719 = arith.constant 15 : i32
      %rev3A_720 = vector.broadcast %rev3A_719 : i32 to vector<16xi32>
      %rev3A_721 = tpu.iota {dimensions = array<i32: 0>} : vector<16xi32>
      %rev3A_722 = arith.subi %rev3A_720, %rev3A_721 : vector<16xi32>
      %rev3A_723 = tpu.dynamic_gather %get3A_713[%rev3A_722] in [0] : vector<16xi32>, vector<16xi32> -> vector<16xi32>
      %le3A_724 = arith.cmpf ole, %masked_sort3A_704, %rev3A_718 : vector<16xf32>
      %select_n3A_725 = arith.select %le3A_724, %masked_sort3A_704, %rev3A_718 : vector<16xi1>, vector<16xf32>
      %select_n3A_726 = arith.select %le3A_724, %masked_sort3A_705, %rev3A_723 : vector<16xi1>, vector<16xi32>
      %masked_sort3A_727 = arith.constant dense<true> : vector<16xi1>
      %masked_sort3A_728, %masked_sort3A_729, %masked_sort3A_730 = tpu.sort %select_n3A_725, %select_n3A_726 masked %masked_sort3A_727 : (vector<16xf32>, vector<16xi32>, vector<16xi1>) -> (vector<16xi1>, vector<16xf32>, vector<16xi32>)
      %get3A_731 = arith.constant 30 : i32
      %get3A_732 = arith.index_cast %get3A_731 : i32 to index
      %get3A_733 = arith.constant 0 : index
      %get3A_734 = tpu.vector_load %arg7[%get3A_732, %get3A_733] {strides = array<i32>} : memref<32x16xf32, #tpu.memory_space<vmem>>, vector<16xf32>,
      %get3A_735 = arith.constant 30 : i32
      %get3A_736 = arith.index_cast %get3A_735 : i32 to index
      %get3A_737 = arith.constant 0 : index
      %get3A_738 = tpu.vector_load %arg8[%get3A_736, %get3A_737] {strides = array<i32>} : memref<32x16xi32, #tpu.memory_space<vmem>>, vector<16xi32>,
      %rev3A_739 = arith.constant 15 : i32
      %rev3A_740 = vector.broadcast %rev3A_739 : i32 to vector<16xi32>
      %rev3A_741 = tpu.iota {dimensions = array<i32: 0>} : vector<16xi32>
      %rev3A_742 = arith.subi %rev3A_740, %rev3A_741 : vector<16xi32>
      %rev3A_743 = tpu.dynamic_gather %get3A_734[%rev3A_742] in [0] : vector<16xf32>, vector<16xi32> -> vector<16xf32>
      %rev3A_744 = arith.constant 15 : i32
      %rev3A_745 = vector.broadcast %rev3A_744 : i32 to vector<16xi32>
      %rev3A_746 = tpu.iota {dimensions = array<i32: 0>} : vector<16xi32>
      %rev3A_747 = arith.subi %rev3A_745, %rev3A_746 : vector<16xi32>
      %rev3A_748 = tpu.dynamic_gather %get3A_738[%rev3A_747] in [0] : vector<16xi32>, vector<16xi32> -> vector<16xi32>
      %le3A_749 = arith.cmpf ole, %masked_sort3A_729, %rev3A_743 : vector<16xf32>
      %select_n3A_750 = arith.select %le3A_749, %masked_sort3A_729, %rev3A_743 : vector<16xi1>, vector<16xf32>
      %select_n3A_751 = arith.select %le3A_749, %masked_sort3A_730, %rev3A_748 : vector<16xi1>, vector<16xi32>
      %masked_sort3A_752 = arith.constant dense<true> : vector<16xi1>
      %masked_sort3A_753, %masked_sort3A_754, %masked_sort3A_755 = tpu.sort %select_n3A_750, %select_n3A_751 masked %masked_sort3A_752 : (vector<16xf32>, vector<16xi32>, vector<16xi1>) -> (vector<16xi1>, vector<16xf32>, vector<16xi32>)
      %get3A_756 = arith.constant 31 : i32
      %get3A_757 = arith.index_cast %get3A_756 : i32 to index
      %get3A_758 = arith.constant 0 : index
      %get3A_759 = tpu.vector_load %arg7[%get3A_757, %get3A_758] {strides = array<i32>} : memref<32x16xf32, #tpu.memory_space<vmem>>, vector<16xf32>,
      %get3A_760 = arith.constant 31 : i32
      %get3A_761 = arith.index_cast %get3A_760 : i32 to index
      %get3A_762 = arith.constant 0 : index
      %get3A_763 = tpu.vector_load %arg8[%get3A_761, %get3A_762] {strides = array<i32>} : memref<32x16xi32, #tpu.memory_space<vmem>>, vector<16xi32>,
      %rev3A_764 = arith.constant 15 : i32
      %rev3A_765 = vector.broadcast %rev3A_764 : i32 to vector<16xi32>
      %rev3A_766 = tpu.iota {dimensions = array<i32: 0>} : vector<16xi32>
      %rev3A_767 = arith.subi %rev3A_765, %rev3A_766 : vector<16xi32>
      %rev3A_768 = tpu.dynamic_gather %get3A_759[%rev3A_767] in [0] : vector<16xf32>, vector<16xi32> -> vector<16xf32>
      %rev3A_769 = arith.constant 15 : i32
      %rev3A_770 = vector.broadcast %rev3A_769 : i32 to vector<16xi32>
      %rev3A_771 = tpu.iota {dimensions = array<i32: 0>} : vector<16xi32>
      %rev3A_772 = arith.subi %rev3A_770, %rev3A_771 : vector<16xi32>
      %rev3A_773 = tpu.dynamic_gather %get3A_763[%rev3A_772] in [0] : vector<16xi32>, vector<16xi32> -> vector<16xi32>
      %le3A_774 = arith.cmpf ole, %masked_sort3A_754, %rev3A_768 : vector<16xf32>
      %select_n3A_775 = arith.select %le3A_774, %masked_sort3A_754, %rev3A_768 : vector<16xi1>, vector<16xf32>
      %select_n3A_776 = arith.select %le3A_774, %masked_sort3A_755, %rev3A_773 : vector<16xi1>, vector<16xi32>
      %masked_sort3A_777 = arith.constant dense<true> : vector<16xi1>
      %masked_sort3A_778, %masked_sort3A_779, %masked_sort3A_780 = tpu.sort %select_n3A_775, %select_n3A_776 masked %masked_sort3A_777 : (vector<16xf32>, vector<16xi32>, vector<16xi1>) -> (vector<16xi1>, vector<16xf32>, vector<16xi32>)
      %swap3A = arith.constant 0 : index
      %swap3A_781 = tpu.vector_load %arg9[%swap3A] {strides = array<i32>} : memref<16xi32, #tpu.memory_space<vmem>>, vector<16xi32>,
      tpu.vector_store %arg9[%swap3A], %masked_sort3A_780 {strides = array<i32>} : memref<16xi32, #tpu.memory_space<vmem>>, vector<16xi32>,
      "tpu.region"() ({
        %run_scoped3A = tpu.sem_alloc : memref<!tpu.dma_semaphore, #tpu.memory_space<semaphore_mem>>
        tpu.enqueue_dma source(%arg9 : memref<16xi32, #tpu.memory_space<vmem>>) target(%arg6 : memref<16xi32, #tpu.memory_space<hbm>>) target_semaphore(%run_scoped3A : memref<!tpu.dma_semaphore, #tpu.memory_space<semaphore_mem>>)
        tpu.wait_dma2 semaphore(%run_scoped3A : memref<!tpu.dma_semaphore, #tpu.memory_space<semaphore_mem>>) src(%arg9 : memref<16xi32, #tpu.memory_space<vmem>>) dst(%arg6 : memref<16xi32, #tpu.memory_space<hbm>>)
        tpu.yield
      }) : () -> ()
      %dma_start3A = arith.constant 0 : i32
      %dma_start3A_782 = arith.constant 0 : i32
      %dma_start3A_783 = tpu.memref_slice %arg4[%dma_start3A, %dma_start3A_782] : memref<100000x512xf32, #tpu.memory_space<hbm>> -> memref<100000x512xf32, #tpu.memory_space<hbm>>
      tpu.enqueue_indirect_dma source(%dma_start3A_783 : memref<100000x512xf32, #tpu.memory_space<hbm>>) target(%arg10 : memref<16x512xf32, #tpu.memory_space<vmem>>) offsets(%arg9 : memref<16xi32, #tpu.memory_space<vmem>>) semaphore(%arg11 : memref<!tpu.dma_semaphore, #tpu.memory_space<semaphore_mem>>)
      %dma_wait3A = arith.constant 0 : i32
      %dma_wait3A_784 = arith.constant 0 : i32
      %dma_wait3A_785 = tpu.memref_slice %arg4[%dma_wait3A, %dma_wait3A_784] : memref<100000x512xf32, #tpu.memory_space<hbm>> -> memref<100000x512xf32, #tpu.memory_space<hbm>>
      tpu.wait_indirect_dma semaphore(%arg11 : memref<!tpu.dma_semaphore, #tpu.memory_space<semaphore_mem>>) src(%dma_wait3A_785 : memref<100000x512xf32, #tpu.memory_space<hbm>>) dst(%arg10 : memref<16x512xf32, #tpu.memory_space<vmem>>)
      "tpu.region"() ({
        %run_scoped3A = tpu.sem_alloc : memref<!tpu.dma_semaphore, #tpu.memory_space<semaphore_mem>>
        tpu.enqueue_dma source(%arg10 : memref<16x512xf32, #tpu.memory_space<vmem>>) target(%arg5 : memref<16x512xf32, #tpu.memory_space<hbm>>) target_semaphore(%run_scoped3A : memref<!tpu.dma_semaphore, #tpu.memory_space<semaphore_mem>>)
        tpu.wait_dma2 semaphore(%run_scoped3A : memref<!tpu.dma_semaphore, #tpu.memory_space<semaphore_mem>>) src(%arg10 : memref<16x512xf32, #tpu.memory_space<vmem>>) dst(%arg5 : memref<16x512xf32, #tpu.memory_space<hbm>>)
        tpu.yield
      }) : () -> ()
    } else {
    }
    return
  }
}

module attributes {stable_mosaic.version = 14 : i64} {
  func.func @_scores_body(%arg0: i32, %arg1: memref<2048x512xf32, #tpu.memory_space<vmem>>, %arg2: memref<1x512xf32, #tpu.memory_space<vmem>>, %arg3: memref<2048xf32, #tpu.memory_space<vmem>>) attributes {dimension_semantics = [#tpu.dimension_semantics<arbitrary>], iteration_bounds = array<i64: 49>, scalar_prefetch = 0 : i64, scratch_operands = 0 : i64, tpu.core_type = #tpu.core_type<tc>, window_params = [{transform_indices = @transform_0, window_bounds = array<i64: 2048, 512>}, {pipeline_mode = #tpu.pipeline_mode<synchronous>, transform_indices = @transform_1, window_bounds = array<i64: 1, 512>}, {transform_indices = @transform_2, window_bounds = array<i64: 2048>}]} {
    %get3A = arith.constant 0 : index
    %get3A_0 = arith.constant 0 : index
    %get3A_1 = vector.load %arg1[%get3A, %get3A_0] : memref<2048x512xf32, #tpu.memory_space<vmem>>, vector<2048x512xf32>
    %convert_element_type3A = arith.truncf %get3A_1 : vector<2048x512xf32> to vector<2048x512xbf16>
    %convert_element_type3A_2 = arith.extf %convert_element_type3A : vector<2048x512xbf16> to vector<2048x512xf32>
    %get3A_3 = arith.constant 0 : index
    %get3A_4 = arith.constant 0 : index
    %get3A_5 = vector.load %arg2[%get3A_3, %get3A_4] : memref<1x512xf32, #tpu.memory_space<vmem>>, vector<1x512xf32>
    %convert_element_type3A_6 = arith.truncf %get3A_5 : vector<1x512xf32> to vector<1x512xbf16>
    %convert_element_type3A_7 = arith.extf %convert_element_type3A_6 : vector<1x512xbf16> to vector<1x512xf32>
    %slice3A = vector.extract_strided_slice %convert_element_type3A_2 {offsets = [0, 0], sizes = [2048, 128], strides = [1, 1]} : vector<2048x512xf32> to vector<2048x128xf32>
    %slice3A_8 = vector.extract_strided_slice %convert_element_type3A_7 {offsets = [0, 0], sizes = [1, 128], strides = [1, 1]} : vector<1x512xf32> to vector<1x128xf32>
    %mul3A = vector.broadcast %slice3A_8 : vector<1x128xf32> to vector<2048x128xf32>
    %mul3A_9 = arith.mulf %slice3A, %mul3A : vector<2048x128xf32>
    %slice3A_10 = vector.extract_strided_slice %convert_element_type3A_2 {offsets = [0, 128], sizes = [2048, 128], strides = [1, 1]} : vector<2048x512xf32> to vector<2048x128xf32>
    %slice3A_11 = vector.extract_strided_slice %convert_element_type3A_7 {offsets = [0, 128], sizes = [1, 128], strides = [1, 1]} : vector<1x512xf32> to vector<1x128xf32>
    %mul3A_12 = vector.broadcast %slice3A_11 : vector<1x128xf32> to vector<2048x128xf32>
    %mul3A_13 = arith.mulf %slice3A_10, %mul3A_12 : vector<2048x128xf32>
    %add3A = arith.addf %mul3A_9, %mul3A_13 : vector<2048x128xf32>
    %slice3A_14 = vector.extract_strided_slice %convert_element_type3A_2 {offsets = [0, 256], sizes = [2048, 128], strides = [1, 1]} : vector<2048x512xf32> to vector<2048x128xf32>
    %slice3A_15 = vector.extract_strided_slice %convert_element_type3A_7 {offsets = [0, 256], sizes = [1, 128], strides = [1, 1]} : vector<1x512xf32> to vector<1x128xf32>
    %mul3A_16 = vector.broadcast %slice3A_15 : vector<1x128xf32> to vector<2048x128xf32>
    %mul3A_17 = arith.mulf %slice3A_14, %mul3A_16 : vector<2048x128xf32>
    %add3A_18 = arith.addf %add3A, %mul3A_17 : vector<2048x128xf32>
    %slice3A_19 = vector.extract_strided_slice %convert_element_type3A_2 {offsets = [0, 384], sizes = [2048, 128], strides = [1, 1]} : vector<2048x512xf32> to vector<2048x128xf32>
    %slice3A_20 = vector.extract_strided_slice %convert_element_type3A_7 {offsets = [0, 384], sizes = [1, 128], strides = [1, 1]} : vector<1x512xf32> to vector<1x128xf32>
    %mul3A_21 = vector.broadcast %slice3A_20 : vector<1x128xf32> to vector<2048x128xf32>
    %mul3A_22 = arith.mulf %slice3A_19, %mul3A_21 : vector<2048x128xf32>
    %add3A_23 = arith.addf %add3A_18, %mul3A_22 : vector<2048x128xf32>
    %transpose3A = tpu.transpose %add3A_23, [1, 0] : vector<2048x128xf32> -> vector<128x2048xf32>
    %reduce_sum3A = arith.constant dense<0.000000e+00> : vector<2048xf32>
    %reduce_sum3A_24 = vector.multi_reduction <add>, %transpose3A, %reduce_sum3A [0] : vector<128x2048xf32> to vector<2048xf32>
    %swap3A = arith.constant 0 : index
    %swap3A_25 = vector.load %arg3[%swap3A] : memref<2048xf32, #tpu.memory_space<vmem>>, vector<2048xf32>
    tpu.vector_store %arg3[%swap3A], %reduce_sum3A_24 {strides = array<i32>} : memref<2048xf32, #tpu.memory_space<vmem>>, vector<2048xf32>,
    return
  }
  func.func @transform_0(%arg0: i32) -> (i32, i32) {
    %c0_i32 = arith.constant 0 : i32
    %c0_i32_0 = arith.constant 0 : i32
    return %arg0, %c0_i32 : i32, i32
  }
  func.func @transform_1(%arg0: i32) -> (i32, i32) {
    %c0_i32 = arith.constant 0 : i32
    %c0_i32_0 = arith.constant 0 : i32
    %c0_i32_1 = arith.constant 0 : i32
    return %c0_i32, %c0_i32_0 : i32, i32
  }
  func.func @transform_2(%arg0: i32) -> i32 {
    %c0_i32 = arith.constant 0 : i32
    return %arg0 : i32
  }
}

module attributes {stable_mosaic.version = 14 : i64} {
  func.func @_rnn_body(%arg0: memref<16x512xf32, #tpu.memory_space<vmem>>, %arg1: memref<512x128xf32, #tpu.memory_space<vmem>>, %arg2: memref<1x128xf32, #tpu.memory_space<vmem>>, %arg3: memref<128x128xf32, #tpu.memory_space<vmem>>, %arg4: memref<1x128xf32, #tpu.memory_space<vmem>>, %arg5: memref<128x128xf32, #tpu.memory_space<vmem>>, %arg6: memref<1x128xf32, #tpu.memory_space<vmem>>, %arg7: memref<1x128xf32, #tpu.memory_space<vmem>>) attributes {dimension_semantics = [], scalar_prefetch = 0 : i64, scratch_operands = 0 : i64, tpu.core_type = #tpu.core_type<tc>} {
    %get3A = arith.constant 0 : index
    %get3A_0 = arith.constant 0 : index
    %get3A_1 = vector.load %arg0[%get3A, %get3A_0] : memref<16x512xf32, #tpu.memory_space<vmem>>, vector<16x512xf32>
    %convert_element_type3A = arith.truncf %get3A_1 : vector<16x512xf32> to vector<16x512xbf16>
    %get3A_2 = arith.constant 0 : index
    %get3A_3 = arith.constant 0 : index
    %get3A_4 = vector.load %arg1[%get3A_2, %get3A_3] : memref<512x128xf32, #tpu.memory_space<vmem>>, vector<512x128xf32>
    %convert_element_type3A_5 = arith.truncf %get3A_4 : vector<512x128xf32> to vector<512x128xbf16>
    %get3A_6 = arith.constant 0 : index
    %get3A_7 = arith.constant 0 : index
    %get3A_8 = vector.load %arg3[%get3A_6, %get3A_7] : memref<128x128xf32, #tpu.memory_space<vmem>>, vector<128x128xf32>
    %convert_element_type3A_9 = arith.truncf %get3A_8 : vector<128x128xf32> to vector<128x128xbf16>
    %get3A_10 = arith.constant 0 : index
    %get3A_11 = arith.constant 0 : index
    %get3A_12 = vector.load %arg5[%get3A_10, %get3A_11] : memref<128x128xf32, #tpu.memory_space<vmem>>, vector<128x128xf32>
    %convert_element_type3A_13 = arith.truncf %get3A_12 : vector<128x128xf32> to vector<128x128xbf16>
    %dot_general3A = arith.constant dense<0.000000e+00> : vector<16x128xf32>
    %dot_general3A_14 = tpu.matmul %convert_element_type3A, %convert_element_type3A_5, %dot_general3A {dimension_numbers = #tpu.dot_dimension_numbers<[1], [0], [0], [1], [0, 0, 1, 1], [], []>, transpose_lhs_hint = false} : vector<16x512xbf16>, vector<512x128xbf16>, vector<16x128xf32> -> vector<16x128xf32>
    %get3A_15 = arith.constant 0 : index
    %get3A_16 = arith.constant 0 : index
    %get3A_17 = vector.load %arg2[%get3A_15, %get3A_16] : memref<1x128xf32, #tpu.memory_space<vmem>>, vector<1x128xf32>
    %add3A = vector.broadcast %get3A_17 : vector<1x128xf32> to vector<16x128xf32>
    %add3A_18 = arith.addf %dot_general3A_14, %add3A : vector<16x128xf32>
    %broadcast_in_dim3A = arith.constant 0.000000e+00 : f32
    %broadcast_in_dim3A_19 = vector.broadcast %broadcast_in_dim3A : f32 to vector<1x128xf32>
    %convert_element_type3A_20 = arith.truncf %broadcast_in_dim3A_19 : vector<1x128xf32> to vector<1x128xbf16>
    %dot_general3A_21 = arith.constant dense<0.000000e+00> : vector<1x128xf32>
    %dot_general3A_22 = tpu.matmul %convert_element_type3A_20, %convert_element_type3A_9, %dot_general3A_21 {dimension_numbers = #tpu.dot_dimension_numbers<[1], [0], [0], [1], [0, 0, 1, 1], [], []>, transpose_lhs_hint = false} : vector<1x128xbf16>, vector<128x128xbf16>, vector<1x128xf32> -> vector<1x128xf32>
    %get3A_23 = arith.constant 0 : index
    %get3A_24 = arith.constant 0 : index
    %get3A_25 = vector.load %arg4[%get3A_23, %get3A_24] : memref<1x128xf32, #tpu.memory_space<vmem>>, vector<1x128xf32>
    %add3A_26 = arith.addf %dot_general3A_22, %get3A_25 : vector<1x128xf32>
    %slice3A = vector.extract_strided_slice %add3A_18 {offsets = [0, 0], sizes = [1, 128], strides = [1, 1]} : vector<16x128xf32> to vector<1x128xf32>
    %add3A_27 = arith.addf %add3A_26, %slice3A : vector<1x128xf32>
    %max3A = arith.constant 0.000000e+00 : f32
    %max3A_28 = vector.broadcast %max3A : f32 to vector<1x128xf32>
    %max3A_29 = arith.maximumf %add3A_27, %max3A_28 : vector<1x128xf32>
    %convert_element_type3A_30 = arith.truncf %max3A_29 : vector<1x128xf32> to vector<1x128xbf16>
    %dot_general3A_31 = arith.constant dense<0.000000e+00> : vector<1x128xf32>
    %dot_general3A_32 = tpu.matmul %convert_element_type3A_30, %convert_element_type3A_9, %dot_general3A_31 {dimension_numbers = #tpu.dot_dimension_numbers<[1], [0], [0], [1], [0, 0, 1, 1], [], []>, transpose_lhs_hint = false} : vector<1x128xbf16>, vector<128x128xbf16>, vector<1x128xf32> -> vector<1x128xf32>
    %get3A_33 = arith.constant 0 : index
    %get3A_34 = arith.constant 0 : index
    %get3A_35 = vector.load %arg4[%get3A_33, %get3A_34] : memref<1x128xf32, #tpu.memory_space<vmem>>, vector<1x128xf32>
    %add3A_36 = arith.addf %dot_general3A_32, %get3A_35 : vector<1x128xf32>
    %slice3A_37 = vector.extract_strided_slice %add3A_18 {offsets = [1, 0], sizes = [1, 128], strides = [1, 1]} : vector<16x128xf32> to vector<1x128xf32>
    %add3A_38 = arith.addf %add3A_36, %slice3A_37 : vector<1x128xf32>
    %max3A_39 = arith.constant 0.000000e+00 : f32
    %max3A_40 = vector.broadcast %max3A_39 : f32 to vector<1x128xf32>
    %max3A_41 = arith.maximumf %add3A_38, %max3A_40 : vector<1x128xf32>
    %convert_element_type3A_42 = arith.truncf %max3A_41 : vector<1x128xf32> to vector<1x128xbf16>
    %dot_general3A_43 = arith.constant dense<0.000000e+00> : vector<1x128xf32>
    %dot_general3A_44 = tpu.matmul %convert_element_type3A_42, %convert_element_type3A_9, %dot_general3A_43 {dimension_numbers = #tpu.dot_dimension_numbers<[1], [0], [0], [1], [0, 0, 1, 1], [], []>, transpose_lhs_hint = false} : vector<1x128xbf16>, vector<128x128xbf16>, vector<1x128xf32> -> vector<1x128xf32>
    %get3A_45 = arith.constant 0 : index
    %get3A_46 = arith.constant 0 : index
    %get3A_47 = vector.load %arg4[%get3A_45, %get3A_46] : memref<1x128xf32, #tpu.memory_space<vmem>>, vector<1x128xf32>
    %add3A_48 = arith.addf %dot_general3A_44, %get3A_47 : vector<1x128xf32>
    %slice3A_49 = vector.extract_strided_slice %add3A_18 {offsets = [2, 0], sizes = [1, 128], strides = [1, 1]} : vector<16x128xf32> to vector<1x128xf32>
    %add3A_50 = arith.addf %add3A_48, %slice3A_49 : vector<1x128xf32>
    %max3A_51 = arith.constant 0.000000e+00 : f32
    %max3A_52 = vector.broadcast %max3A_51 : f32 to vector<1x128xf32>
    %max3A_53 = arith.maximumf %add3A_50, %max3A_52 : vector<1x128xf32>
    %convert_element_type3A_54 = arith.truncf %max3A_53 : vector<1x128xf32> to vector<1x128xbf16>
    %dot_general3A_55 = arith.constant dense<0.000000e+00> : vector<1x128xf32>
    %dot_general3A_56 = tpu.matmul %convert_element_type3A_54, %convert_element_type3A_9, %dot_general3A_55 {dimension_numbers = #tpu.dot_dimension_numbers<[1], [0], [0], [1], [0, 0, 1, 1], [], []>, transpose_lhs_hint = false} : vector<1x128xbf16>, vector<128x128xbf16>, vector<1x128xf32> -> vector<1x128xf32>
    %get3A_57 = arith.constant 0 : index
    %get3A_58 = arith.constant 0 : index
    %get3A_59 = vector.load %arg4[%get3A_57, %get3A_58] : memref<1x128xf32, #tpu.memory_space<vmem>>, vector<1x128xf32>
    %add3A_60 = arith.addf %dot_general3A_56, %get3A_59 : vector<1x128xf32>
    %slice3A_61 = vector.extract_strided_slice %add3A_18 {offsets = [3, 0], sizes = [1, 128], strides = [1, 1]} : vector<16x128xf32> to vector<1x128xf32>
    %add3A_62 = arith.addf %add3A_60, %slice3A_61 : vector<1x128xf32>
    %max3A_63 = arith.constant 0.000000e+00 : f32
    %max3A_64 = vector.broadcast %max3A_63 : f32 to vector<1x128xf32>
    %max3A_65 = arith.maximumf %add3A_62, %max3A_64 : vector<1x128xf32>
    %convert_element_type3A_66 = arith.truncf %max3A_65 : vector<1x128xf32> to vector<1x128xbf16>
    %dot_general3A_67 = arith.constant dense<0.000000e+00> : vector<1x128xf32>
    %dot_general3A_68 = tpu.matmul %convert_element_type3A_66, %convert_element_type3A_9, %dot_general3A_67 {dimension_numbers = #tpu.dot_dimension_numbers<[1], [0], [0], [1], [0, 0, 1, 1], [], []>, transpose_lhs_hint = false} : vector<1x128xbf16>, vector<128x128xbf16>, vector<1x128xf32> -> vector<1x128xf32>
    %get3A_69 = arith.constant 0 : index
    %get3A_70 = arith.constant 0 : index
    %get3A_71 = vector.load %arg4[%get3A_69, %get3A_70] : memref<1x128xf32, #tpu.memory_space<vmem>>, vector<1x128xf32>
    %add3A_72 = arith.addf %dot_general3A_68, %get3A_71 : vector<1x128xf32>
    %slice3A_73 = vector.extract_strided_slice %add3A_18 {offsets = [4, 0], sizes = [1, 128], strides = [1, 1]} : vector<16x128xf32> to vector<1x128xf32>
    %add3A_74 = arith.addf %add3A_72, %slice3A_73 : vector<1x128xf32>
    %max3A_75 = arith.constant 0.000000e+00 : f32
    %max3A_76 = vector.broadcast %max3A_75 : f32 to vector<1x128xf32>
    %max3A_77 = arith.maximumf %add3A_74, %max3A_76 : vector<1x128xf32>
    %convert_element_type3A_78 = arith.truncf %max3A_77 : vector<1x128xf32> to vector<1x128xbf16>
    %dot_general3A_79 = arith.constant dense<0.000000e+00> : vector<1x128xf32>
    %dot_general3A_80 = tpu.matmul %convert_element_type3A_78, %convert_element_type3A_9, %dot_general3A_79 {dimension_numbers = #tpu.dot_dimension_numbers<[1], [0], [0], [1], [0, 0, 1, 1], [], []>, transpose_lhs_hint = false} : vector<1x128xbf16>, vector<128x128xbf16>, vector<1x128xf32> -> vector<1x128xf32>
    %get3A_81 = arith.constant 0 : index
    %get3A_82 = arith.constant 0 : index
    %get3A_83 = vector.load %arg4[%get3A_81, %get3A_82] : memref<1x128xf32, #tpu.memory_space<vmem>>, vector<1x128xf32>
    %add3A_84 = arith.addf %dot_general3A_80, %get3A_83 : vector<1x128xf32>
    %slice3A_85 = vector.extract_strided_slice %add3A_18 {offsets = [5, 0], sizes = [1, 128], strides = [1, 1]} : vector<16x128xf32> to vector<1x128xf32>
    %add3A_86 = arith.addf %add3A_84, %slice3A_85 : vector<1x128xf32>
    %max3A_87 = arith.constant 0.000000e+00 : f32
    %max3A_88 = vector.broadcast %max3A_87 : f32 to vector<1x128xf32>
    %max3A_89 = arith.maximumf %add3A_86, %max3A_88 : vector<1x128xf32>
    %convert_element_type3A_90 = arith.truncf %max3A_89 : vector<1x128xf32> to vector<1x128xbf16>
    %dot_general3A_91 = arith.constant dense<0.000000e+00> : vector<1x128xf32>
    %dot_general3A_92 = tpu.matmul %convert_element_type3A_90, %convert_element_type3A_9, %dot_general3A_91 {dimension_numbers = #tpu.dot_dimension_numbers<[1], [0], [0], [1], [0, 0, 1, 1], [], []>, transpose_lhs_hint = false} : vector<1x128xbf16>, vector<128x128xbf16>, vector<1x128xf32> -> vector<1x128xf32>
    %get3A_93 = arith.constant 0 : index
    %get3A_94 = arith.constant 0 : index
    %get3A_95 = vector.load %arg4[%get3A_93, %get3A_94] : memref<1x128xf32, #tpu.memory_space<vmem>>, vector<1x128xf32>
    %add3A_96 = arith.addf %dot_general3A_92, %get3A_95 : vector<1x128xf32>
    %slice3A_97 = vector.extract_strided_slice %add3A_18 {offsets = [6, 0], sizes = [1, 128], strides = [1, 1]} : vector<16x128xf32> to vector<1x128xf32>
    %add3A_98 = arith.addf %add3A_96, %slice3A_97 : vector<1x128xf32>
    %max3A_99 = arith.constant 0.000000e+00 : f32
    %max3A_100 = vector.broadcast %max3A_99 : f32 to vector<1x128xf32>
    %max3A_101 = arith.maximumf %add3A_98, %max3A_100 : vector<1x128xf32>
    %convert_element_type3A_102 = arith.truncf %max3A_101 : vector<1x128xf32> to vector<1x128xbf16>
    %dot_general3A_103 = arith.constant dense<0.000000e+00> : vector<1x128xf32>
    %dot_general3A_104 = tpu.matmul %convert_element_type3A_102, %convert_element_type3A_9, %dot_general3A_103 {dimension_numbers = #tpu.dot_dimension_numbers<[1], [0], [0], [1], [0, 0, 1, 1], [], []>, transpose_lhs_hint = false} : vector<1x128xbf16>, vector<128x128xbf16>, vector<1x128xf32> -> vector<1x128xf32>
    %get3A_105 = arith.constant 0 : index
    %get3A_106 = arith.constant 0 : index
    %get3A_107 = vector.load %arg4[%get3A_105, %get3A_106] : memref<1x128xf32, #tpu.memory_space<vmem>>, vector<1x128xf32>
    %add3A_108 = arith.addf %dot_general3A_104, %get3A_107 : vector<1x128xf32>
    %slice3A_109 = vector.extract_strided_slice %add3A_18 {offsets = [7, 0], sizes = [1, 128], strides = [1, 1]} : vector<16x128xf32> to vector<1x128xf32>
    %add3A_110 = arith.addf %add3A_108, %slice3A_109 : vector<1x128xf32>
    %max3A_111 = arith.constant 0.000000e+00 : f32
    %max3A_112 = vector.broadcast %max3A_111 : f32 to vector<1x128xf32>
    %max3A_113 = arith.maximumf %add3A_110, %max3A_112 : vector<1x128xf32>
    %convert_element_type3A_114 = arith.truncf %max3A_113 : vector<1x128xf32> to vector<1x128xbf16>
    %dot_general3A_115 = arith.constant dense<0.000000e+00> : vector<1x128xf32>
    %dot_general3A_116 = tpu.matmul %convert_element_type3A_114, %convert_element_type3A_9, %dot_general3A_115 {dimension_numbers = #tpu.dot_dimension_numbers<[1], [0], [0], [1], [0, 0, 1, 1], [], []>, transpose_lhs_hint = false} : vector<1x128xbf16>, vector<128x128xbf16>, vector<1x128xf32> -> vector<1x128xf32>
    %get3A_117 = arith.constant 0 : index
    %get3A_118 = arith.constant 0 : index
    %get3A_119 = vector.load %arg4[%get3A_117, %get3A_118] : memref<1x128xf32, #tpu.memory_space<vmem>>, vector<1x128xf32>
    %add3A_120 = arith.addf %dot_general3A_116, %get3A_119 : vector<1x128xf32>
    %slice3A_121 = vector.extract_strided_slice %add3A_18 {offsets = [8, 0], sizes = [1, 128], strides = [1, 1]} : vector<16x128xf32> to vector<1x128xf32>
    %add3A_122 = arith.addf %add3A_120, %slice3A_121 : vector<1x128xf32>
    %max3A_123 = arith.constant 0.000000e+00 : f32
    %max3A_124 = vector.broadcast %max3A_123 : f32 to vector<1x128xf32>
    %max3A_125 = arith.maximumf %add3A_122, %max3A_124 : vector<1x128xf32>
    %convert_element_type3A_126 = arith.truncf %max3A_125 : vector<1x128xf32> to vector<1x128xbf16>
    %dot_general3A_127 = arith.constant dense<0.000000e+00> : vector<1x128xf32>
    %dot_general3A_128 = tpu.matmul %convert_element_type3A_126, %convert_element_type3A_9, %dot_general3A_127 {dimension_numbers = #tpu.dot_dimension_numbers<[1], [0], [0], [1], [0, 0, 1, 1], [], []>, transpose_lhs_hint = false} : vector<1x128xbf16>, vector<128x128xbf16>, vector<1x128xf32> -> vector<1x128xf32>
    %get3A_129 = arith.constant 0 : index
    %get3A_130 = arith.constant 0 : index
    %get3A_131 = vector.load %arg4[%get3A_129, %get3A_130] : memref<1x128xf32, #tpu.memory_space<vmem>>, vector<1x128xf32>
    %add3A_132 = arith.addf %dot_general3A_128, %get3A_131 : vector<1x128xf32>
    %slice3A_133 = vector.extract_strided_slice %add3A_18 {offsets = [9, 0], sizes = [1, 128], strides = [1, 1]} : vector<16x128xf32> to vector<1x128xf32>
    %add3A_134 = arith.addf %add3A_132, %slice3A_133 : vector<1x128xf32>
    %max3A_135 = arith.constant 0.000000e+00 : f32
    %max3A_136 = vector.broadcast %max3A_135 : f32 to vector<1x128xf32>
    %max3A_137 = arith.maximumf %add3A_134, %max3A_136 : vector<1x128xf32>
    %convert_element_type3A_138 = arith.truncf %max3A_137 : vector<1x128xf32> to vector<1x128xbf16>
    %dot_general3A_139 = arith.constant dense<0.000000e+00> : vector<1x128xf32>
    %dot_general3A_140 = tpu.matmul %convert_element_type3A_138, %convert_element_type3A_13, %dot_general3A_139 {dimension_numbers = #tpu.dot_dimension_numbers<[1], [0], [0], [1], [0, 0, 1, 1], [], []>, transpose_lhs_hint = false} : vector<1x128xbf16>, vector<128x128xbf16>, vector<1x128xf32> -> vector<1x128xf32>
    %get3A_141 = arith.constant 0 : index
    %get3A_142 = arith.constant 0 : index
    %get3A_143 = vector.load %arg6[%get3A_141, %get3A_142] : memref<1x128xf32, #tpu.memory_space<vmem>>, vector<1x128xf32>
    %add3A_144 = arith.addf %dot_general3A_140, %get3A_143 : vector<1x128xf32>
    %swap3A = arith.constant 0 : index
    %swap3A_145 = arith.constant 0 : index
    %swap3A_146 = vector.load %arg7[%swap3A, %swap3A_145] : memref<1x128xf32, #tpu.memory_space<vmem>>, vector<1x128xf32>
    tpu.vector_store %arg7[%swap3A, %swap3A_145], %add3A_144 {strides = array<i32>} : memref<1x128xf32, #tpu.memory_space<vmem>>, vector<1x128xf32>,
    return
  }
}

</mosaic_0001>

<sc_bundles>
// kernel: kernel.6.cloned.1.call-start
scs
__scs_entry_jumppad:
0x0: {  	(pc) =	sbr.rel $0x88, $3  }
0x1: {  	(tag) =	ssettag $0x0;
	lr =	simm.s32 $0x1  }
0x2: {  	[smem:$0x3F99] =	sst lr;
	_ =	strace $0xD0000000  }
0x3: {  	_ = 	snop  }
0x4: {  	_ = 	snop  }
0x5: {  	_ = 	snop  }
0x6: {  	_ = 	snop  }
0x7: {  	_ = 	snop  }
__scs_overlays_trampoline_lowered:
0x8: {  	[smem:$0x3FA8] =	sst s0  }
0x9: {  	[smem:$0x3FA9] =	sst s1  }
0xa: {  	[smem:$0x3FAA] =	sst s2  }
0xb: {  	[smem:$0x3FAB] =	sst s3  }
0xc: {  	[smem:$0x3FAC] =	sst s4  }
0xd: {  	[smem:$0x3FAD] =	sst s5  }
0xe: {  	[smem:$0x3FAE] =	sst s6  }
0xf: {  	[smem:$0x3FAF] =	sst s7  }
0x10: {  	[smem:$0x3FB0] =	sst s8  }
0x11: {  	[smem:$0x3FB1] =	sst s9;
	s0 =	simm.s32 @!p0 $0x0  }
0x12: {  	s1 =	sld [smem:$0x3F97];
	s0 =	simm.s32 @p0 $0x1  }
0x13: {  	[smem:$0x3FB2] =	sst s0;
	s0 =	simm.s32 @!p1 $0x0  }
0x14: {  	s2 =	sld [smem:$0x3F96];
	s0 =	simm.s32 @p1 $0x1  }
0x15: {  	[smem:$0x3FB3] =	sst s0;
	s0 =	simm.s32 @!p2 $0x0  }
0x16: {  	s3 =	sld [smem:$0x3FDB];
	s0 =	simm.s32 @p2 $0x1  }
0x17: {  	s4 =	simm.s32 $0x1BF5;
	[smem:$0x3FB5] =	sst s0  }
0x18: {  	s0 =	sld [smem:$0x3F98];
	_ =	swait.ge [sflag:s4], $0x0  }
0x19: {  	s7 =	sld [smem:$0x3F99]  }
0x1a: {  	s8 =	sadd.s32 $0xFFFFE003, lr  }
0x1b: {  	s9 =	sadd.s32 $0xFFFFFEF7, lr;
	s5 =	simm.s32 $0xFFFFFFFF;
	p2 =	slt.u32 s8, $0xFFFFF086  }
0x1c: {  	p1 =	slt.u32 s9, $0xF7A;
	s5 =	simm.s32 @!p2 $0x0  }
0x1d: {  	s5 =	simm.s32 @p1 $0x1;
	p0 =	seq.s32 s7, s2  }
0x1e: {  	s7 =	smul.u32 @!p0 $0xF7A, s2;
	p2 =	seq.s32 @!p0 s5, $0x0  }
0x1f: {  	s9 =	smul.u32 $0xF7A, s1;
	s8 =	simm.s32 @!p0 $0x1BF5;
	p2 =	por !p2, p0  }
0x20: {  	[sflag:s8] =	ssyncset.s32 @!p0 $0xFFFFF086;
	s6 =	sadd.s32 @!p0 s3, s7;
	s7 =	simm.s32 @!p0 $0x108  }
0x21: {  	s3 =	sadd.s32 s3, s9;
	s6 =	sadd.s32 @!p0 $0x88, s6;
	s7 =	simm.s32 @p2 $0x1082  }
0x22: {  	[simem:s7], [sflag:s8] =	dma.local @!p0 [hbm:s6], $0xF7A  }
0x23: {  	s9 =	sor.u32 $0xD0000000, s2;
	s6 =	simm.s32 $0x108;
	_ =	swait.ge @!p0 [sflag:s8], $0x0  }
0x24: {  	s3 =	sadd.s32 $0x88, s3;
	s6 =	simm.s32 @!p1 $0x1082;
	[sflag:s4] =	ssyncset.s32 $0xFFFFF086  }
0x25: {  	[simem:s6], [sflag:s4] =	dma.local [hbm:s3], $0xF7A  }
0x26: {  	[smem:$0x3F99] =	sst s1;
	(tag) =	ssettag s2;
	_ =	strace s9  }
0x27: {  	s1 =	sld [smem:$0x3FA9]  }
0x28: {  	s2 =	sld [smem:$0x3FAA]  }
0x29: {  	s4 =	sld [smem:$0x3FAC]  }
0x2a: {  	p0 =	seq.s32 s5, $0x0;
	s5 =	sld [smem:$0x3FAD]  }
0x2b: {  	s6 =	sld [smem:$0x3FAE]  }
0x2c: {  	s7 =	sld [smem:$0x3FAF]  }
0x2d: {  	s3 =	simm.s32 $0x108;
	s8 =	sld [smem:$0x3FB0]  }
0x2e: {  	s3 =	simm.s32 @!p0 $0x1082;
	s9 =	sld [smem:$0x3FB1]  }
0x2f: {  	lr =	sadd.s32 s0, s3;
	s0 =	sld [smem:$0x3FA8]  }
0x30: {  	s3 =	sld [smem:$0x3FAB]  }
0x31: {  	[smem:$0x3FB4] =	sst s10  }
0x32: {  	s10 =	sld [smem:$0x3FB2];
	_ =	sdelay $0x3  }
0x33: {  	p0 =	seq.s32 s10, $0x1;
	s10 =	sld [smem:$0x3FB4];
	_ =	sdelay $0x3  }
0x34: {  	[smem:$0x3FB4] =	sst s10  }
0x35: {  	s10 =	sld [smem:$0x3FB3];
	_ =	sdelay $0x3  }
0x36: {  	p1 =	seq.s32 s10, $0x1;
	s10 =	sld [smem:$0x3FB4];
	_ =	sdelay $0x3  }
0x37: {  	[smem:$0x3FB4] =	sst s10  }
0x38: {  	s10 =	sld [smem:$0x3FB5]  }
0x39: {  	_ = 	snop;
	(pc) =	sbr.ind lr, $3  }
0x3a: {  	_ = 	snop  }
0x3b: {  	_ = 	snop  }
0x3c: {  	p2 =	seq.s32 s10, $0x1;
	s10 =	sld [smem:$0x3FB4]  }
0x3d: {  	_ =	shalt  }
0x3e: {  	_ =	shalt  }
0x3f: {  	_ =	shalt  }
0x40: {  	_ =	shalt  }
0x41: {  	_ =	shalt  }
0x42: {  	_ =	shalt  }
0x43: {  	_ =	shalt  }
0x44: {  	_ =	shalt  }
0x45: {  	_ =	shalt  }
0x46: {  	_ =	shalt  }
0x47: {  	_ =	shalt  }
0x48: {  	_ =	shalt  }
0x49: {  	_ =	shalt  }
0x4a: {  	_ =	shalt  }
0x4b: {  	_ =	shalt  }
0x4c: {  	_ =	shalt  }
0x4d: {  	_ =	shalt  }
0x4e: {  	_ =	shalt  }
0x4f: {  	_ =	shalt  }
0x50: {  	_ =	shalt  }
0x51: {  	_ =	shalt  }
0x52: {  	_ =	shalt  }
0x53: {  	_ =	shalt  }
0x54: {  	_ =	shalt  }
0x55: {  	_ =	shalt  }
0x56: {  	_ =	shalt  }
0x57: {  	_ =	shalt  }
0x58: {  	_ =	shalt  }
0x59: {  	_ =	shalt  }
0x5a: {  	_ =	shalt  }
0x5b: {  	_ =	shalt  }
0x5c: {  	_ =	shalt  }
0x5d: {  	_ =	shalt  }
0x5e: {  	_ =	shalt  }
0x5f: {  	_ =	shalt  }
0x60: {  	_ =	shalt  }
0x61: {  	_ =	shalt  }
0x62: {  	_ =	shalt  }
0x63: {  	_ =	shalt  }
0x64: {  	_ =	shalt  }
0x65: {  	_ =	shalt  }
0x66: {  	_ =	shalt  }
0x67: {  	_ =	shalt  }
0x68: {  	_ =	shalt  }
0x69: {  	_ =	shalt  }
0x6a: {  	_ =	shalt  }
0x6b: {  	_ =	shalt  }
0x6c: {  	_ =	shalt  }
0x6d: {  	_ =	shalt  }
0x6e: {  	_ =	shalt  }
0x6f: {  	_ =	shalt  }
0x70: {  	_ =	shalt  }
0x71: {  	_ =	shalt  }
0x72: {  	_ =	shalt  }
0x73: {  	_ =	shalt  }
0x74: {  	_ =	shalt  }
0x75: {  	_ =	shalt  }
0x76: {  	_ =	shalt  }
0x77: {  	_ =	shalt  }
0x78: {  	_ =	shalt  }
0x79: {  	_ =	shalt  }
0x7a: {  	_ =	shalt  }
0x7b: {  	_ =	shalt  }
0x7c: {  	_ =	shalt  }
0x7d: {  	_ =	shalt  }
0x7e: {  	_ =	shalt  }
0x7f: {  	_ =	shalt  }
0x80: {  	_ =	shalt  }
0x81: {  	_ =	shalt  }
0x82: {  	_ =	shalt  }
0x83: {  	_ =	shalt  }
0x84: {  	_ =	shalt  }
0x85: {  	_ =	shalt  }
0x86: {  	_ =	shalt  }
0x87: {  	_ =	shalt  }
.Lfunc_end0:
.L_simem_size_0:
called_computation_lowered:
.L_overlay_start_0:
0x88: {  	s2 =	sld [smem:$0x3FD9]  }
0x89: {  	s3 =	sld [smem:$0x3FFE];
	_ =	sdelay $0x1  }
0x8a: {  	s1 =	srdreg.scid  }
0x8b: {  	s0 =	sand.u32 $0x1, s1  }
0x8c: {  	s16 =	sshll.u32 s0, $0xA;
	s2 =	sadd.s32 s3, s2  }
0x8d: {  	s2 =	sadd.s32 s2, s16  }
0x8e: {  	[smem:$0x3FC0] =	sst s2  }
0x8f: {  	_ = 	snop  }
0x90: {  	(tm) =	ssettm $0x1  }
0x91: {  	s17 =	sld [smem:$0x3FFB];
	_ =	sdelay $0x3  }
0x92: {  	_ =	strace s17  }
0x93: {  	s2 =	sld [smem:$0x3FFC];
	_ =	sdelay $0x3  }
0x94: {  	_ =	strace s2  }
0x95: {  	s2 =	sld [smem:$0x3FFD];
	_ =	sdelay $0x3  }
0x96: {  	_ =	strace s2  }
0x97: {  	_ =	strace $0x8FFFFFFF  }
0x98: {  	s18 =	sld [smem:$0x3FDB];
	_ =	sdelay $0x1  }
0x99: {  	s19 =	simm.s32 $_scs_section_size  }
0x9a: {  	s4 =	simm.s32 $_size__tile_overlayer_lowered;
	s5 =	simm.s32 $_tile_overlayer_lowered  }
0x9b: {  	s22 =	simm.s32 $0x1BFF;
	s21 =	sshll.u32 s5, $0x1;
	s2 =	sadd.s32 s19, s18  }
0x9c: {  	s6 =	simm.s32 $0x0;
	s20 =	sshll.u32 s4, $0x1;
	s4 =	sadd.s32 s21, s2  }
0x9d: {  	[timem:s6], [sflag:s22] =	dma.local [hbm:s4], s20  }
0x9e: {  	_ =	swait.ge [sflag:s22], s20  }
0x9f: {  	s3 =	ssub.s32 $0x0, s20;
	[sflag:s22] =	ssyncset.done $0x0  }
0xa0: {  	[sflag:s22] =	ssyncadd.s32 s3;
	_ =	sdelay $0x1  }
0xa1: {  	s23 =	simm.s32 $0x1B8B  }
0xa2: {  	_ =	swait.ge [sflag:s23], $0x1  }
0xa3: {  	[sflag:s23] =	ssyncset.done $0x0  }
0xa4: {  	s25 =	simm.s32 $0x1B8E;
	s24 =	sld [smem:$0x3FFE];
	[sflag:s23] =	ssyncadd.s32 $0xFFFFFFFF  }
0xa5: {  	s26 =	simm.s32 $execute0_lowered;
	[smem:$0x3FD2] =	sst s25  }
0xa6: {  	s4 =	sshll.u32 s26, $0x1;
	_ =	strace $0x80000046;
	[dreg:$0x1] =	wrdreg $0xFFFFFFFF  }
0xa7: {  	s28 =	simm.s32 $_size_execute0_lowered;
	s2 =	sadd.s32 s2, s4;
	[dreg:$0x0] =	wrdreg $0x0  }
0xa8: {  	s4 =	sshll.u32 s28, $0x1;
	[dreg:$0x2] =	wrdreg s2  }
0xa9: {  	[dreg:$0x3] =	wrdreg s4  }
0xaa: {  	[dreg:$0x4] =	wrdreg $0xC0  }
0xab: {  	_ =	task [dreg:s6], $0x5FFFF  }
0xac: {  	[dreg:$0x1] =	wrdreg $0xFFFFFFFF  }
0xad: {  	[dreg:$0x0] =	wrdreg $0x60  }
0xae: {  	[dreg:$0x2] =	wrdreg s24  }
0xaf: {  	[dreg:$0x3] =	wrdreg $0x9  }
0xb0: {  	_ =	task.clear_ibuf [dreg:s6], $0x4FFFF;
	_ =	strace $0x90000046  }
0xb1: {  	s29 =	simm.s32 $0x9;
	_ =	strace $0x80000048  }
0xb2: {  	_ =	swait.ge [sflag:s29], $0x1  }
0xb3: {  	[sflag:s29] =	ssyncadd.s32 $0xFFFFFFFF  }
0xb4: {  	_ =	strace $0x90000048  }
0xb5: {  	_ =	sfence  }
0xb6: {  	s30 =	sld [smem:$0x0];
	_ =	sdelay $0x2  }
0xb7: {  	s31 =	sshll.u32 s1, $0xD;
	s1 =	sshrl.u32 s1, $0x2  }
0xb8: {  	s3 =	sand.u32 $0x4000, s31;
	s1 =	sadd.s32 s1, s30  }
0xb9: {  	s0 =	sor.u32 s3, s0;
	s1 =	sshll.u32 s1, $0x11  }
0xba: {  	s0 =	sor.u32 s1, s0  }
0xbb: {  	s0 =	sadd.s32 $0x8F2B, s0  }
0xbc: {  	[sflag:s0] =	ssyncadd.remote.s32 $0x1  }
0xbd: {  	_ =	sfence.sel $0xFFFF  }
0xbe: {  	[dreg:$0x0] =	wrdreg $0xFFFFFFFF;
	(pc) =	sbr.abs _section_cstart, $3  }
0xbf: {  	[dreg:$0x1] =	wrdreg $0xFFFFFFFF  }
0xc0: {  	_ =	task.clear_ibuf [dreg:s6], $0x2FFFF;
	_ =	strace $0x9FFFFFFF  }
0xc1: {  	(tm) =	ssettm $0x7FFFFFFF  }
tec
execute0_lowered:
.L_overlay_start_1:
0x0: {  	(tag) =	ssettag $0x1  }
0x1: {  	s1 =	srdreg.scid;
	s0 =	stileid.u32  }
0x2: {  	s5 =	rddreg [dreg:$0x0];
	s2 =	simm.s32 $0x0;
	s10 =	simm.s32 $0xD00  }
0x3: {  	s11 =	simm.s32 $0x0;
	s3 =	sand.u32 $0x1, s1;
	s30 =	sshll.u32 s0, $0x1  }
0x4: {  	s1 =	rddreg [dreg:$0x1];
	s9 =	smul.u32 $0x1880, s0;
	s4 =	sor.u32 s3, s30  }
0x5: {  	[smem:$0x7FF] =	sst s2;
	s7 =	ssub.s32 $0x2, s3;
	s6 =	smul.u32 $0xC40, s4  }
0x6: {  	_ =	strace $0x80000047;
	s31 =	smul.u32 $0xC40, s3;
	s8 =	sshrl.u32 s7, $0x1  }
0x7: {  	v0 =	vlaneseq.u32;
	s4 =	sshll.u32 s4, $0x4;
	s7 =	ssub.s32 s7, s8;
	s6 =	sshrl.u32 s6, $0x3  }
0x8: {  	v1 =	vmul.u32 $0xFFFFFFFF, v0;
	s8 =	simm.s32 $0x1;
	s6 =	sadd.s32 s6, s5;
	s5 =	sadd.s32 s4, s5  }
0x9: {  	s3 =	sadd.s32 $0x1E00, s6;
	s4 =	sadd.s32 $0x5000, s5;
	s5 =	sadd.s32 $0x5200, s5  }
0xa: {  	v1 =	vadd.s32 $0xF, v1;
	s6 =	smax.u32 s7, $0x1;
	s7 =	sadd.s32 s31, s9;
	s9 =	simm.s32 $0xC80  }
.LBB2_1:
0xb: {  	[tilespmem:s2], [sflag:$0x1] =	stream.linear.gather [hbm4b:s3+s2], $0xC40, $0x38;
	[tilespmem:$0xD80] =	vst v63  }
0xc: {  	_ =	swait.ge [sflag:s8], $0xC40  }
0xd: {  	[sflag:s8] =	ssyncset.done $0x0  }
0xe: {  	s12 =	simm.s32 $0x0;
	[sflag:s8] =	ssyncadd.s32 $0xFFFFF3C0  }
0xf: {  	v2 =	vld [tilespmem:s12+$0x0];
	_ =	sdelay $0x2  }
0x10: {  	v3 =	vmov s7  }
0x11: {  	vm0 =	vlt.u32 v3, $0x186A0  }
0x12: {  	v3 =	vor.u32 s7, v0;
	v2 =	vnsel vm0, $0x7F800000, v2  }
0x13: {  	(xrf1) =	vsort.ascd.msk.f32 $0xffff, v2, v3;
	_ =	sdelay $0x9  }
0x14: {  	s31 =	simm.s32 $0x10  }
0x15: {  	v2 =	vld [tilespmem:s31+$0x0];
	_ =	sdelay $0x1  }
0x16: {  	s12 =	sadd.s32 $0x10, s7  }
0x17: {  	v6 =	vmov s12;
	v3, v4, _ =	vpop (xrf1)  }
0x18: {  	v5 =	vimm.f32 $+Inf;
	vm14 =	vlt.u32 v6, $0x186A0;
	v3 =	vperm.xlane v3, v1  }
0x19: {  	v63 =	vor.u32 s12, v0;
	v2 =	vnsel vm14, $0x7F800000, v2;
	v4 =	vperm.xlane v4, v1  }
0x1a: {  	v7 =	vimm.s32 $0x0;
	(xrf1) =	vsort.ascd.msk.f32 $0xffff, v2, v63;
	vm15 =	vle.f32 v5, v3  }
0x1b: {  	v2 =	vsel vm15, v5, v3;
	v3 =	vsel vm15, v7, v4  }
0x1c: {  	(xrf1) =	vsort.ascd.msk.f32 $0xffff, v2, v3;
	_ =	sdelay $0x7  }
0x1d: {  	s14 =	simm.s32 $0x20;
	s13 =	simm.s32 $0xC0  }
.LBB2_2:
0x1e: {  	p0 =	sne.s32 s13, $0x30C0;
	v2 =	vld [tilespmem:s14+$0x0];
	_ =	sdelay $0x1  }
0x1f: {  	s12 =	sadd.s32 $0x10, s12  }
0x20: {  	v3 =	vmov s12;
	v4, v5, _ =	vpop (xrf1)  }
0x21: {  	vm0 =	vlt.u32 v3, $0x186A0;
	v3 =	vperm.xlane v4, v1  }
0x22: {  	v4 =	vor.u32 s12, v0;
	v5 =	vperm.xlane v5, v1;
	v2 =	vnsel vm0, $0x7F800000, v2;
	v6, v7, _ =	vpop (xrf1)  }
0x23: {  	(xrf1) =	vsort.ascd.msk.f32 $0xffff, v2, v4;
	vm0 =	vle.f32 v6, v3  }
0x24: {  	v2 =	vsel vm0, v6, v3;
	v3 =	vsel vm0, v7, v5  }
0x25: {  	(xrf1) =	vsort.ascd.msk.f32 $0xffff, v2, v3;
	_ =	sdelay $0x3  }
.Ltmp0:
0x26: {  	(pc) =	sbr.rel @p0 .LBB2_2-.Ltmp0, $2  }
0x27: {  	_ =	sdelay $0x2  }
0x28: {  	s14 =	sshra.s32 s13, $0x2;
	s13 =	sadd.s32 $0x40, s13  }
0x29: {  	v2 =	vld [tilespmem:s14+$0x0];
	_ =	sdelay $0x1  }
0x2a: {  	s12 =	sadd.s32 $0x10, s12  }
0x2b: {  	v3 =	vmov s12;
	v4, v5, _ =	vpop (xrf1)  }
0x2c: {  	vm0 =	vlt.u32 v3, $0x186A0;
	v3 =	vperm.xlane v4, v1  }
0x2d: {  	v61 =	vor.u32 s12, v0;
	v5 =	vperm.xlane v5, v1;
	v2 =	vnsel vm0, $0x7F800000, v2;
	v6, v7, _ =	vpop (xrf1)  }
0x2e: {  	(xrf1) =	vsort.ascd.msk.f32 $0xffff, v2, v61;
	vm14 =	vle.f32 v6, v3  }
0x2f: {  	v2 =	vsel vm14, v6, v3;
	v3 =	vsel vm14, v7, v5  }
0x30: {  	(xrf1) =	vsort.ascd.msk.f32 $0xffff, v2, v3;
	_ =	sdelay $0xb  }
0x31: {  	v2, v3, _ =	vpop (xrf1)  }
0x32: {  	v2 =	vperm.xlane v2, v1  }
0x33: {  	v3 =	vperm.xlane v3, v1;
	v62, v63, _ =	vpop (xrf1)  }
0x34: {  	vm15 =	vle.f32 v62, v2  }
0x35: {  	v2 =	vsel vm15, v62, v2;
	v3 =	vsel vm15, v63, v3  }
0x36: {  	(xrf1) =	vsort.ascd.msk.f32 $0xffff, v2, v3;
	_ =	sdelay $0xd  }
0x37: {  	v2, v3, _ =	vpop (xrf1)  }
0x38: {  	[tilespmem:$0xC80] =	vst v2  }
0x39: {  	[tilespmem:$0xD00] =	vst v3  }
0x3a: {  	[hbm4b:s4+s2] =	stream.linear.scatter [tilespmem:s9], [sflag:$0x1], $0x80, $0x38;
	[tilespmem:$0xD80] =	vst v63  }
0x3b: {  	s11 =	sadd.s32 $0x1, s11;
	_ =	swait.ge [sflag:s8], $0x80  }
0x3c: {  	p0 =	sne.s32 s11, s6;
	[sflag:s8] =	ssyncset.done $0x0  }
.Ltmp1:
0x3d: {  	[sflag:s8] =	ssyncadd.s32 $0xFFFFFF80;
	(pc) =	sbr.rel @p0 .LBB2_1-.Ltmp1, $4  }
0x3e: {  	[hbm4b:s5+s2] =	stream.linear.scatter [tilespmem:s10], [sflag:$0x1], $0x80, $0x38;
	[tilespmem:$0xD80] =	vst v63  }
0x3f: {  	_ =	swait.ge [sflag:s8], $0x80  }
0x40: {  	[sflag:s8] =	ssyncset.done $0x0  }
0x41: {  	[sflag:s8] =	ssyncadd.s32 $0xFFFFFF80  }
0x42: {  	_ =	sfence.sel $0x180000  }
0x43: {  	[bflag:$0x0] =	sbarrier.arrive $0xFFFF  }
0x44: {  	p0 =	sne.s32 s0, $0x0;
	_ =	strace $0x90000047  }
0x45: {  	s0 =	sadd.s32 @!p0 $0x100000, s1;
	[bflag:$0x2] =	sbarrier.arrive $0xFFFF  }
0x46: {  	[sflag:s0] =	ssyncadd.tile.s32 @!p0 $0x1;
	_ =	shalt  }
.Lfunc_end2:
_tile_overlayer_lowered:
.L_overlay_start_2:
0x47: {  	(tag) =	ssettag $0x2  }
0x48: {  	s0 =	rddreg [dreg:$0x0];
	s2 =	stileid.u32  }
0x49: {  	s1 =	rddreg [dreg:$0x1];
	p0 =	sne.s32 s2, $0x0  }
0x4a: {  	s3 =	rddreg [dreg:$0x2];
	[bflag:$0x3] =	sbarrier.arrive $0xFFFF;
	s2 =	simm.s32 @!p0 $0x1C01  }
0x4b: {  	[timem:s3], [sflag:s2] =	dma.local @!p0 [hbm:s0], s1  }
0x4c: {  	s0 =	simm.s32 @!p0 $0x1  }
0x4d: {  	_ =	swait.ge @!p0 [sflag:s0], s1  }
0x4e: {  	s1 =	ssub.s32 @!p0 $0x0, s1;
	[sflag:s0] =	ssyncset.done @!p0 $0x0  }
0x4f: {  	[sflag:s0] =	ssyncadd.s32 @!p0 s1  }
0x50: {  	[bflag:$0x3] =	sbarrier.arrive $0xFFFF  }
0x51: {  	_ =	shalt  }

// kernel: kernel.9.cloned.1.call-start
scs
__scs_entry_jumppad:
0x0: {  	(pc) =	sbr.rel $0x88, $3  }
0x1: {  	(tag) =	ssettag $0x0;
	lr =	simm.s32 $0x1  }
0x2: {  	[smem:$0x3F99] =	sst lr;
	_ =	strace $0xD0000000  }
0x3: {  	_ = 	snop  }
0x4: {  	_ = 	snop  }
0x5: {  	_ = 	snop  }
0x6: {  	_ = 	snop  }
0x7: {  	_ = 	snop  }
__scs_overlays_trampoline_lowered:
0x8: {  	[smem:$0x3FA8] =	sst s0  }
0x9: {  	[smem:$0x3FA9] =	sst s1  }
0xa: {  	[smem:$0x3FAA] =	sst s2  }
0xb: {  	[smem:$0x3FAB] =	sst s3  }
0xc: {  	[smem:$0x3FAC] =	sst s4  }
0xd: {  	[smem:$0x3FAD] =	sst s5  }
0xe: {  	[smem:$0x3FAE] =	sst s6  }
0xf: {  	[smem:$0x3FAF] =	sst s7  }
0x10: {  	[smem:$0x3FB0] =	sst s8  }
0x11: {  	[smem:$0x3FB1] =	sst s9;
	s0 =	simm.s32 @!p0 $0x0  }
0x12: {  	s1 =	sld [smem:$0x3F97];
	s0 =	simm.s32 @p0 $0x1  }
0x13: {  	[smem:$0x3FB2] =	sst s0;
	s0 =	simm.s32 @!p1 $0x0  }
0x14: {  	s2 =	sld [smem:$0x3F96];
	s0 =	simm.s32 @p1 $0x1  }
0x15: {  	[smem:$0x3FB3] =	sst s0;
	s0 =	simm.s32 @!p2 $0x0  }
0x16: {  	s3 =	sld [smem:$0x3FDB];
	s0 =	simm.s32 @p2 $0x1  }
0x17: {  	s4 =	simm.s32 $0x1BF5;
	[smem:$0x3FB5] =	sst s0  }
0x18: {  	s0 =	sld [smem:$0x3F98];
	_ =	swait.ge [sflag:s4], $0x0  }
0x19: {  	s7 =	sld [smem:$0x3F99]  }
0x1a: {  	s8 =	sadd.s32 $0xFFFFE003, lr  }
0x1b: {  	s9 =	sadd.s32 $0xFFFFFEF7, lr;
	s5 =	simm.s32 $0xFFFFFFFF;
	p2 =	slt.u32 s8, $0xFFFFF086  }
0x1c: {  	p1 =	slt.u32 s9, $0xF7A;
	s5 =	simm.s32 @!p2 $0x0  }
0x1d: {  	s5 =	simm.s32 @p1 $0x1;
	p0 =	seq.s32 s7, s2  }
0x1e: {  	s7 =	smul.u32 @!p0 $0xF7A, s2;
	p2 =	seq.s32 @!p0 s5, $0x0  }
0x1f: {  	s9 =	smul.u32 $0xF7A, s1;
	s8 =	simm.s32 @!p0 $0x1BF5;
	p2 =	por !p2, p0  }
0x20: {  	[sflag:s8] =	ssyncset.s32 @!p0 $0xFFFFF086;
	s6 =	sadd.s32 @!p0 s3, s7;
	s7 =	simm.s32 @!p0 $0x108  }
0x21: {  	s3 =	sadd.s32 s3, s9;
	s6 =	sadd.s32 @!p0 $0x88, s6;
	s7 =	simm.s32 @p2 $0x1082  }
0x22: {  	[simem:s7], [sflag:s8] =	dma.local @!p0 [hbm:s6], $0xF7A  }
0x23: {  	s9 =	sor.u32 $0xD0000000, s2;
	s6 =	simm.s32 $0x108;
	_ =	swait.ge @!p0 [sflag:s8], $0x0  }
0x24: {  	s3 =	sadd.s32 $0x88, s3;
	s6 =	simm.s32 @!p1 $0x1082;
	[sflag:s4] =	ssyncset.s32 $0xFFFFF086  }
0x25: {  	[simem:s6], [sflag:s4] =	dma.local [hbm:s3], $0xF7A  }
0x26: {  	[smem:$0x3F99] =	sst s1;
	(tag) =	ssettag s2;
	_ =	strace s9  }
0x27: {  	s1 =	sld [smem:$0x3FA9]  }
0x28: {  	s2 =	sld [smem:$0x3FAA]  }
0x29: {  	s4 =	sld [smem:$0x3FAC]  }
0x2a: {  	p0 =	seq.s32 s5, $0x0;
	s5 =	sld [smem:$0x3FAD]  }
0x2b: {  	s6 =	sld [smem:$0x3FAE]  }
0x2c: {  	s7 =	sld [smem:$0x3FAF]  }
0x2d: {  	s3 =	simm.s32 $0x108;
	s8 =	sld [smem:$0x3FB0]  }
0x2e: {  	s3 =	simm.s32 @!p0 $0x1082;
	s9 =	sld [smem:$0x3FB1]  }
0x2f: {  	lr =	sadd.s32 s0, s3;
	s0 =	sld [smem:$0x3FA8]  }
0x30: {  	s3 =	sld [smem:$0x3FAB]  }
0x31: {  	[smem:$0x3FB4] =	sst s10  }
0x32: {  	s10 =	sld [smem:$0x3FB2];
	_ =	sdelay $0x3  }
0x33: {  	p0 =	seq.s32 s10, $0x1;
	s10 =	sld [smem:$0x3FB4];
	_ =	sdelay $0x3  }
0x34: {  	[smem:$0x3FB4] =	sst s10  }
0x35: {  	s10 =	sld [smem:$0x3FB3];
	_ =	sdelay $0x3  }
0x36: {  	p1 =	seq.s32 s10, $0x1;
	s10 =	sld [smem:$0x3FB4];
	_ =	sdelay $0x3  }
0x37: {  	[smem:$0x3FB4] =	sst s10  }
0x38: {  	s10 =	sld [smem:$0x3FB5]  }
0x39: {  	_ = 	snop;
	(pc) =	sbr.ind lr, $3  }
0x3a: {  	_ = 	snop  }
0x3b: {  	_ = 	snop  }
0x3c: {  	p2 =	seq.s32 s10, $0x1;
	s10 =	sld [smem:$0x3FB4]  }
0x3d: {  	_ =	shalt  }
0x3e: {  	_ =	shalt  }
0x3f: {  	_ =	shalt  }
0x40: {  	_ =	shalt  }
0x41: {  	_ =	shalt  }
0x42: {  	_ =	shalt  }
0x43: {  	_ =	shalt  }
0x44: {  	_ =	shalt  }
0x45: {  	_ =	shalt  }
0x46: {  	_ =	shalt  }
0x47: {  	_ =	shalt  }
0x48: {  	_ =	shalt  }
0x49: {  	_ =	shalt  }
0x4a: {  	_ =	shalt  }
0x4b: {  	_ =	shalt  }
0x4c: {  	_ =	shalt  }
0x4d: {  	_ =	shalt  }
0x4e: {  	_ =	shalt  }
0x4f: {  	_ =	shalt  }
0x50: {  	_ =	shalt  }
0x51: {  	_ =	shalt  }
0x52: {  	_ =	shalt  }
0x53: {  	_ =	shalt  }
0x54: {  	_ =	shalt  }
0x55: {  	_ =	shalt  }
0x56: {  	_ =	shalt  }
0x57: {  	_ =	shalt  }
0x58: {  	_ =	shalt  }
0x59: {  	_ =	shalt  }
0x5a: {  	_ =	shalt  }
0x5b: {  	_ =	shalt  }
0x5c: {  	_ =	shalt  }
0x5d: {  	_ =	shalt  }
0x5e: {  	_ =	shalt  }
0x5f: {  	_ =	shalt  }
0x60: {  	_ =	shalt  }
0x61: {  	_ =	shalt  }
0x62: {  	_ =	shalt  }
0x63: {  	_ =	shalt  }
0x64: {  	_ =	shalt  }
0x65: {  	_ =	shalt  }
0x66: {  	_ =	shalt  }
0x67: {  	_ =	shalt  }
0x68: {  	_ =	shalt  }
0x69: {  	_ =	shalt  }
0x6a: {  	_ =	shalt  }
0x6b: {  	_ =	shalt  }
0x6c: {  	_ =	shalt  }
0x6d: {  	_ =	shalt  }
0x6e: {  	_ =	shalt  }
0x6f: {  	_ =	shalt  }
0x70: {  	_ =	shalt  }
0x71: {  	_ =	shalt  }
0x72: {  	_ =	shalt  }
0x73: {  	_ =	shalt  }
0x74: {  	_ =	shalt  }
0x75: {  	_ =	shalt  }
0x76: {  	_ =	shalt  }
0x77: {  	_ =	shalt  }
0x78: {  	_ =	shalt  }
0x79: {  	_ =	shalt  }
0x7a: {  	_ =	shalt  }
0x7b: {  	_ =	shalt  }
0x7c: {  	_ =	shalt  }
0x7d: {  	_ =	shalt  }
0x7e: {  	_ =	shalt  }
0x7f: {  	_ =	shalt  }
0x80: {  	_ =	shalt  }
0x81: {  	_ =	shalt  }
0x82: {  	_ =	shalt  }
0x83: {  	_ =	shalt  }
0x84: {  	_ =	shalt  }
0x85: {  	_ =	shalt  }
0x86: {  	_ =	shalt  }
0x87: {  	_ =	shalt  }
.Lfunc_end0:
.L_simem_size_0:
called_computation.1_lowered:
.L_overlay_start_0:
0x88: {  	s2 =	sld [smem:$0x3FD9]  }
0x89: {  	s3 =	sld [smem:$0x3FFE];
	_ =	sdelay $0x1  }
0x8a: {  	s1 =	srdreg.scid  }
0x8b: {  	s0 =	sand.u32 $0x1, s1  }
0x8c: {  	s17 =	sshll.u32 s0, $0xA;
	s2 =	sadd.s32 s3, s2  }
0x8d: {  	s2 =	sadd.s32 s2, s17  }
0x8e: {  	[smem:$0x3FC0] =	sst s2  }
0x8f: {  	_ = 	snop  }
0x90: {  	s2 =	sld [smem:$0x3FC9];
	(tm) =	ssettm $0x1  }
0x91: {  	s18 =	sld [smem:$0x3FFB];
	_ =	sdelay $0x3  }
0x92: {  	_ =	strace s18  }
0x93: {  	s3 =	sld [smem:$0x3FFC];
	_ =	sdelay $0x3  }
0x94: {  	_ =	strace s3  }
0x95: {  	s3 =	sld [smem:$0x3FFD];
	_ =	sdelay $0x3  }
0x96: {  	_ =	strace s3  }
0x97: {  	_ =	strace $0x8FFFFFFF  }
0x98: {  	s19 =	sld [smem:$0x3FDB];
	_ =	sdelay $0x1  }
0x99: {  	s4 =	simm.s32 $_scs_section_size  }
0x9a: {  	s5 =	simm.s32 $_size__tile_overlayer_lowered;
	s6 =	simm.s32 $_tile_overlayer_lowered  }
0x9b: {  	s22 =	simm.s32 $0x1BFF;
	s21 =	sshll.u32 s6, $0x1;
	s3 =	sadd.s32 s4, s19  }
0x9c: {  	s7 =	simm.s32 $0x0;
	s20 =	sshll.u32 s5, $0x1;
	s5 =	sadd.s32 s21, s3  }
0x9d: {  	[timem:s7], [sflag:s22] =	dma.local [hbm:s5], s20  }
0x9e: {  	_ =	swait.ge [sflag:s22], s20  }
0x9f: {  	s4 =	ssub.s32 $0x0, s20;
	[sflag:s22] =	ssyncset.done $0x0  }
0xa0: {  	[sflag:s22] =	ssyncadd.s32 s4;
	_ =	sdelay $0x1  }
0xa1: {  	s23 =	simm.s32 $0x1B8B  }
0xa2: {  	_ =	swait.ge [sflag:s23], $0x1  }
0xa3: {  	[sflag:s23] =	ssyncset.done $0x0  }
0xa4: {  	s25 =	simm.s32 $0x1B8E;
	s24 =	sld [smem:$0x3FFE];
	[sflag:s23] =	ssyncadd.s32 $0xFFFFFFFF  }
0xa5: {  	s26 =	simm.s32 $execute0_lowered;
	[smem:$0x3FD2] =	sst s25  }
0xa6: {  	s5 =	sshll.u32 s26, $0x1;
	_ =	strace $0x80000049;
	[dreg:$0x1] =	wrdreg $0xFFFFFFFF  }
0xa7: {  	s28 =	simm.s32 $_size_execute0_lowered;
	s3 =	sadd.s32 s3, s5;
	[dreg:$0x0] =	wrdreg $0x0  }
0xa8: {  	s5 =	sshll.u32 s28, $0x1;
	[dreg:$0x2] =	wrdreg s3  }
0xa9: {  	[dreg:$0x3] =	wrdreg s5  }
0xaa: {  	[dreg:$0x4] =	wrdreg $0xC0  }
0xab: {  	_ =	task [dreg:s7], $0x5FFFF  }
0xac: {  	[dreg:$0x1] =	wrdreg $0xFFFFFFFF  }
0xad: {  	[dreg:$0x0] =	wrdreg $0x60  }
0xae: {  	[dreg:$0x2] =	wrdreg s24  }
0xaf: {  	[dreg:$0x3] =	wrdreg s2  }
0xb0: {  	[dreg:$0x4] =	wrdreg $0x9  }
0xb1: {  	_ =	task.clear_ibuf [dreg:s7], $0x5FFFF;
	_ =	strace $0x90000049  }
0xb2: {  	s29 =	simm.s32 $0x9;
	_ =	strace $0x8000004B  }
0xb3: {  	_ =	swait.ge [sflag:s29], $0x1  }
0xb4: {  	[sflag:s29] =	ssyncadd.s32 $0xFFFFFFFF  }
0xb5: {  	_ =	strace $0x9000004B  }
0xb6: {  	_ =	sfence  }
0xb7: {  	s30 =	sld [smem:$0x0];
	_ =	sdelay $0x2  }
0xb8: {  	s31 =	sshll.u32 s1, $0xD;
	s1 =	sshrl.u32 s1, $0x2  }
0xb9: {  	s3 =	sand.u32 $0x4000, s31;
	s1 =	sadd.s32 s1, s30  }
0xba: {  	s0 =	sor.u32 s3, s0;
	s1 =	sshll.u32 s1, $0x11  }
0xbb: {  	s0 =	sor.u32 s1, s0  }
0xbc: {  	s0 =	sadd.s32 $0x8F2B, s0  }
0xbd: {  	[sflag:s0] =	ssyncadd.remote.s32 $0x1  }
0xbe: {  	_ =	sfence.sel $0xFFFF  }
0xbf: {  	[dreg:$0x0] =	wrdreg $0xFFFFFFFF;
	(pc) =	sbr.abs _section_cstart, $3  }
0xc0: {  	[dreg:$0x1] =	wrdreg $0xFFFFFFFF  }
0xc1: {  	_ =	task.clear_ibuf [dreg:s7], $0x2FFFF;
	_ =	strace $0x9FFFFFFF  }
0xc2: {  	(tm) =	ssettm $0x7FFFFFFF  }
0xc3: {  	_ =	shalt  }
tec
execute0_lowered:
.L_overlay_start_1:
0x0: {  	(tag) =	ssettag $0x1  }
0x1: {  	s0 =	srdreg.scid  }
0x2: {  	s3 =	sand.u32 $0x1, s0;
	s0 =	stileid.u32  }
0x3: {  	s4 =	sshll.u32 s0, $0x1;
	s5 =	ssub.s32 $0x0, s3  }
0x4: {  	p0 =	sne.s32 s4, s5  }
.Ltmp0:
0x5: {  	_ = 	snop;
	(pc) =	sbr.rel @p0 .LBB2_3-.Ltmp0, $4  }
0x6: {  	_ = 	snop  }
0x7: {  	s6 =	rddreg [dreg:$0x0]  }
0x8: {  	s2 =	rddreg [dreg:$0x1]  }
0x9: {  	s1 =	rddreg [dreg:$0x2];
	_ =	strace $0x8000004A  }
0xa: {  	s7 =	ssub.s32 $0x2, s3;
	s3 =	sadd.s32 $0x5000, s6;
	s4 =	sadd.s32 $0x5200, s6  }
0xb: {  	s5 =	sadd.s32 $0x2000, s6;
	s6 =	sadd.s32 $0x1E00, s6;
	s9 =	simm.s32 $0x0  }
0xc: {  	v3 =	vlaneseq.u32;
	s10 =	simm.s32 $0x2;
	s11 =	simm.s32 $0x1000;
	s12 =	simm.s32 $0x2000  }
0xd: {  	s13 =	simm.s32 $0x2080;
	s14 =	simm.s32 $0x2880;
	s8 =	sshrl.u32 s7, $0x1;
	v0 =	vmul.u32 $0xFFFFFFFF, v3  }
0xe: {  	vm0 =	vmmov $0xffff;
	s15 =	simm.s32 $0x3080;
	s16 =	simm.s32 $0x3880;
	v2 =	vshrl.u32 v3, $0x3;
	v1 =	vand.u32 $0x7, v3;
	s8 =	ssub.s32 s7, s8  }
0xf: {  	s17 =	simm.s32 $0x1;
	v3 =	vor.u32 $0x8, v3;
	s7 =	sadd.s32 $0x100, s2;
	v2 =	vmul.u32 $0x8, v2;
	s8 =	smax.u32 s8, $0x1;
	v0 =	vadd.s32 $0xF, v0  }
.LBB2_2:
0x10: {  	[tilespmem:s9], [sflag:$0x2] =	stream.linear.gather [hbm4b:s3+s9], $0x1000, $0x38;
	[tilespmem:$0x4080] =	vst v63  }
0x11: {  	_ =	swait.ge [sflag:s10], $0x1000  }
0x12: {  	[sflag:s10] =	ssyncset.done $0x0  }
0x13: {  	[sflag:s10] =	ssyncadd.s32 $0xFFFFF000  }
0x14: {  	[tilespmem:s11], [sflag:$0x2] =	stream.linear.gather [hbm4b:s4+s9], $0x1000, $0x38;
	[tilespmem:$0x4080] =	vst v63  }
0x15: {  	_ =	swait.ge [sflag:s10], $0x1000  }
0x16: {  	[sflag:s10] =	ssyncset.done $0x0  }
0x17: {  	[sflag:s10] =	ssyncadd.s32 $0xFFFFF000  }
0x18: {  	v4 =	vld [tilespmem:$0x80]  }
0x19: {  	v5 =	vld [tilespmem:$0x1080]  }
0x1a: {  	v6 =	vld [tilespmem:$0x0]  }
0x1b: {  	v7 =	vld [tilespmem:$0x1000];
	_ =	sdelay $0x1  }
0x1c: {  	v4 =	vperm.xlane v4, v0  }
0x1d: {  	v5 =	vperm.xlane v5, v0  }
0x1e: {  	vm1 =	vle.f32 v6, v4  }
0x1f: {  	v4 =	vsel vm1, v6, v4;
	v5 =	vsel vm1, v7, v5  }
0x20: {  	(xrf1) =	vsort.ascd.msk.f32 $0xffff, v4, v5;
	_ =	sdelay $0x7  }
0x21: {  	v4 =	vld [tilespmem:$0x100]  }
0x22: {  	v5 =	vld [tilespmem:$0x1100];
	_ =	sdelay $0x3  }
0x23: {  	v4 =	vperm.xlane v4, v0  }
0x24: {  	v5 =	vperm.xlane v5, v0;
	v59, v60, _ =	vpop (xrf1)  }
0x25: {  	vm1 =	vle.f32 v59, v4  }
0x26: {  	v4 =	vsel vm1, v59, v4;
	v5 =	vsel vm1, v60, v5  }
0x27: {  	(xrf1) =	vsort.ascd.msk.f32 $0xffff, v4, v5;
	_ =	sdelay $0x7  }
0x28: {  	v4 =	vld [tilespmem:$0x180]  }
0x29: {  	v5 =	vld [tilespmem:$0x1180];
	_ =	sdelay $0x3  }
0x2a: {  	v4 =	vperm.xlane v4, v0  }
0x2b: {  	v5 =	vperm.xlane v5, v0;
	v61, v62, _ =	vpop (xrf1)  }
0x2c: {  	vm1 =	vle.f32 v61, v4  }
0x2d: {  	v4 =	vsel vm1, v61, v4;
	v5 =	vsel vm1, v62, v5  }
0x2e: {  	(xrf1) =	vsort.ascd.msk.f32 $0xffff, v4, v5;
	_ =	sdelay $0x7  }
0x2f: {  	v4 =	vld [tilespmem:$0x200]  }
0x30: {  	v5 =	vld [tilespmem:$0x1200];
	_ =	sdelay $0x3  }
0x31: {  	v4 =	vperm.xlane v4, v0  }
0x32: {  	v5 =	vperm.xlane v5, v0;
	v63, v9, _ =	vpop (xrf1)  }
0x33: {  	vm1 =	vle.f32 v63, v4  }
0x34: {  	v4 =	vsel vm1, v63, v4;
	v5 =	vsel vm1, v9, v5  }
0x35: {  	(xrf1) =	vsort.ascd.msk.f32 $0xffff, v4, v5;
	_ =	sdelay $0x7  }
0x36: {  	v4 =	vld [tilespmem:$0x280]  }
0x37: {  	v5 =	vld [tilespmem:$0x1280];
	_ =	sdelay $0x3  }
0x38: {  	v4 =	vperm.xlane v4, v0  }
0x39: {  	v5 =	vperm.xlane v5, v0;
	v10, v11, _ =	vpop (xrf1)  }
0x3a: {  	vm1 =	vle.f32 v10, v4  }
0x3b: {  	v4 =	vsel vm1, v10, v4;
	v5 =	vsel vm1, v11, v5  }
0x3c: {  	(xrf1) =	vsort.ascd.msk.f32 $0xffff, v4, v5;
	_ =	sdelay $0x7  }
0x3d: {  	v4 =	vld [tilespmem:$0x300]  }
0x3e: {  	v5 =	vld [tilespmem:$0x1300];
	_ =	sdelay $0x3  }
0x3f: {  	v4 =	vperm.xlane v4, v0  }
0x40: {  	v5 =	vperm.xlane v5, v0;
	v12, v13, _ =	vpop (xrf1)  }
0x41: {  	vm1 =	vle.f32 v12, v4  }
0x42: {  	v4 =	vsel vm1, v12, v4;
	v5 =	vsel vm1, v13, v5  }
0x43: {  	(xrf1) =	vsort.ascd.msk.f32 $0xffff, v4, v5;
	_ =	sdelay $0x7  }
0x44: {  	v4 =	vld [tilespmem:$0x380]  }
0x45: {  	v5 =	vld [tilespmem:$0x1380];
	_ =	sdelay $0x3  }
0x46: {  	v4 =	vperm.xlane v4, v0  }
0x47: {  	v5 =	vperm.xlane v5, v0;
	v14, v15, _ =	vpop (xrf1)  }
0x48: {  	vm1 =	vle.f32 v14, v4  }
0x49: {  	v4 =	vsel vm1, v14, v4;
	v5 =	vsel vm1, v15, v5  }
0x4a: {  	(xrf1) =	vsort.ascd.msk.f32 $0xffff, v4, v5;
	_ =	sdelay $0x7  }
0x4b: {  	v4 =	vld [tilespmem:$0x400]  }
0x4c: {  	v5 =	vld [tilespmem:$0x1400];
	_ =	sdelay $0x3  }
0x4d: {  	v4 =	vperm.xlane v4, v0  }
0x4e: {  	v5 =	vperm.xlane v5, v0;
	v16, v17, _ =	vpop (xrf1)  }
0x4f: {  	vm1 =	vle.f32 v16, v4  }
0x50: {  	v4 =	vsel vm1, v16, v4;
	v5 =	vsel vm1, v17, v5  }
0x51: {  	(xrf1) =	vsort.ascd.msk.f32 $0xffff, v4, v5;
	_ =	sdelay $0x7  }
0x52: {  	v4 =	vld [tilespmem:$0x480]  }
0x53: {  	v5 =	vld [tilespmem:$0x1480];
	_ =	sdelay $0x3  }
0x54: {  	v4 =	vperm.xlane v4, v0  }
0x55: {  	v5 =	vperm.xlane v5, v0;
	v18, v19, _ =	vpop (xrf1)  }
0x56: {  	vm1 =	vle.f32 v18, v4  }
0x57: {  	v4 =	vsel vm1, v18, v4;
	v5 =	vsel vm1, v19, v5  }
0x58: {  	(xrf1) =	vsort.ascd.msk.f32 $0xffff, v4, v5;
	_ =	sdelay $0x7  }
0x59: {  	v4 =	vld [tilespmem:$0x500]  }
0x5a: {  	v5 =	vld [tilespmem:$0x1500];
	_ =	sdelay $0x3  }
0x5b: {  	v4 =	vperm.xlane v4, v0  }
0x5c: {  	v5 =	vperm.xlane v5, v0;
	v20, v21, _ =	vpop (xrf1)  }
0x5d: {  	vm1 =	vle.f32 v20, v4  }
0x5e: {  	v4 =	vsel vm1, v20, v4;
	v5 =	vsel vm1, v21, v5  }
0x5f: {  	(xrf1) =	vsort.ascd.msk.f32 $0xffff, v4, v5;
	_ =	sdelay $0x7  }
0x60: {  	v4 =	vld [tilespmem:$0x580]  }
0x61: {  	v5 =	vld [tilespmem:$0x1580];
	_ =	sdelay $0x3  }
0x62: {  	v4 =	vperm.xlane v4, v0  }
0x63: {  	v5 =	vperm.xlane v5, v0;
	v22, v23, _ =	vpop (xrf1)  }
0x64: {  	vm1 =	vle.f32 v22, v4  }
0x65: {  	v4 =	vsel vm1, v22, v4;
	v5 =	vsel vm1, v23, v5  }
0x66: {  	(xrf1) =	vsort.ascd.msk.f32 $0xffff, v4, v5;
	_ =	sdelay $0x7  }
0x67: {  	v4 =	vld [tilespmem:$0x600]  }
0x68: {  	v5 =	vld [tilespmem:$0x1600];
	_ =	sdelay $0x3  }
0x69: {  	v4 =	vperm.xlane v4, v0  }
0x6a: {  	v5 =	vperm.xlane v5, v0;
	v24, v25, _ =	vpop (xrf1)  }
0x6b: {  	vm1 =	vle.f32 v24, v4  }
0x6c: {  	v4 =	vsel vm1, v24, v4;
	v5 =	vsel vm1, v25, v5  }
0x6d: {  	(xrf1) =	vsort.ascd.msk.f32 $0xffff, v4, v5;
	_ =	sdelay $0x7  }
0x6e: {  	v4 =	vld [tilespmem:$0x680]  }
0x6f: {  	v5 =	vld [tilespmem:$0x1680];
	_ =	sdelay $0x3  }
0x70: {  	v4 =	vperm.xlane v4, v0  }
0x71: {  	v5 =	vperm.xlane v5, v0;
	v26, v27, _ =	vpop (xrf1)  }
0x72: {  	vm1 =	vle.f32 v26, v4  }
0x73: {  	v4 =	vsel vm1, v26, v4;
	v5 =	vsel vm1, v27, v5  }
0x74: {  	(xrf1) =	vsort.ascd.msk.f32 $0xffff, v4, v5;
	_ =	sdelay $0x7  }
0x75: {  	v4 =	vld [tilespmem:$0x700]  }
0x76: {  	v5 =	vld [tilespmem:$0x1700];
	_ =	sdelay $0x3  }
0x77: {  	v4 =	vperm.xlane v4, v0  }
0x78: {  	v5 =	vperm.xlane v5, v0;
	v28, v29, _ =	vpop (xrf1)  }
0x79: {  	vm1 =	vle.f32 v28, v4  }
0x7a: {  	v4 =	vsel vm1, v28, v4;
	v5 =	vsel vm1, v29, v5  }
0x7b: {  	(xrf1) =	vsort.ascd.msk.f32 $0xffff, v4, v5;
	_ =	sdelay $0x7  }
0x7c: {  	v4 =	vld [tilespmem:$0x780]  }
0x7d: {  	v5 =	vld [tilespmem:$0x1780];
	_ =	sdelay $0x3  }
0x7e: {  	v4 =	vperm.xlane v4, v0  }
0x7f: {  	v5 =	vperm.xlane v5, v0;
	v30, v31, _ =	vpop (xrf1)  }
0x80: {  	vm1 =	vle.f32 v30, v4  }
0x81: {  	v4 =	vsel vm1, v30, v4;
	v5 =	vsel vm1, v31, v5  }
0x82: {  	(xrf1) =	vsort.ascd.msk.f32 $0xffff, v4, v5;
	_ =	sdelay $0x7  }
0x83: {  	v4 =	vld [tilespmem:$0x800]  }
0x84: {  	v5 =	vld [tilespmem:$0x1800];
	_ =	sdelay $0x3  }
0x85: {  	v4 =	vperm.xlane v4, v0  }
0x86: {  	v5 =	vperm.xlane v5, v0;
	v32, v33, _ =	vpop (xrf1)  }
0x87: {  	vm1 =	vle.f32 v32, v4  }
0x88: {  	v4 =	vsel vm1, v32, v4;
	v5 =	vsel vm1, v33, v5  }
0x89: {  	(xrf1) =	vsort.ascd.msk.f32 $0xffff, v4, v5;
	_ =	sdelay $0x7  }
0x8a: {  	v4 =	vld [tilespmem:$0x880]  }
0x8b: {  	v5 =	vld [tilespmem:$0x1880];
	_ =	sdelay $0x3  }
0x8c: {  	v4 =	vperm.xlane v4, v0  }
0x8d: {  	v5 =	vperm.xlane v5, v0;
	v34, v35, _ =	vpop (xrf1)  }
0x8e: {  	vm1 =	vle.f32 v34, v4  }
0x8f: {  	v4 =	vsel vm1, v34, v4;
	v5 =	vsel vm1, v35, v5  }
0x90: {  	(xrf1) =	vsort.ascd.msk.f32 $0xffff, v4, v5;
	_ =	sdelay $0x7  }
0x91: {  	v4 =	vld [tilespmem:$0x900]  }
0x92: {  	v5 =	vld [tilespmem:$0x1900];
	_ =	sdelay $0x3  }
0x93: {  	v4 =	vperm.xlane v4, v0  }
0x94: {  	v5 =	vperm.xlane v5, v0;
	v36, v37, _ =	vpop (xrf1)  }
0x95: {  	vm1 =	vle.f32 v36, v4  }
0x96: {  	v4 =	vsel vm1, v36, v4;
	v5 =	vsel vm1, v37, v5  }
0x97: {  	(xrf1) =	vsort.ascd.msk.f32 $0xffff, v4, v5;
	_ =	sdelay $0x7  }
0x98: {  	v4 =	vld [tilespmem:$0x980]  }
0x99: {  	v5 =	vld [tilespmem:$0x1980];
	_ =	sdelay $0x3  }
0x9a: {  	v4 =	vperm.xlane v4, v0  }
0x9b: {  	v5 =	vperm.xlane v5, v0;
	v38, v39, _ =	vpop (xrf1)  }
0x9c: {  	vm1 =	vle.f32 v38, v4  }
0x9d: {  	v4 =	vsel vm1, v38, v4;
	v5 =	vsel vm1, v39, v5  }
0x9e: {  	(xrf1) =	vsort.ascd.msk.f32 $0xffff, v4, v5;
	_ =	sdelay $0x7  }
0x9f: {  	v4 =	vld [tilespmem:$0xA00]  }
0xa0: {  	v5 =	vld [tilespmem:$0x1A00];
	_ =	sdelay $0x3  }
0xa1: {  	v4 =	vperm.xlane v4, v0  }
0xa2: {  	v5 =	vperm.xlane v5, v0;
	v40, v41, _ =	vpop (xrf1)  }
0xa3: {  	vm1 =	vle.f32 v40, v4  }
0xa4: {  	v4 =	vsel vm1, v40, v4;
	v5 =	vsel vm1, v41, v5  }
0xa5: {  	(xrf1) =	vsort.ascd.msk.f32 $0xffff, v4, v5;
	_ =	sdelay $0x7  }
0xa6: {  	v4 =	vld [tilespmem:$0xA80]  }
0xa7: {  	v5 =	vld [tilespmem:$0x1A80];
	_ =	sdelay $0x3  }
0xa8: {  	v4 =	vperm.xlane v4, v0  }
0xa9: {  	v5 =	vperm.xlane v5, v0;
	v42, v43, _ =	vpop (xrf1)  }
0xaa: {  	vm1 =	vle.f32 v42, v4  }
0xab: {  	v4 =	vsel vm1, v42, v4;
	v5 =	vsel vm1, v43, v5  }
0xac: {  	(xrf1) =	vsort.ascd.msk.f32 $0xffff, v4, v5;
	_ =	sdelay $0x7  }
0xad: {  	v4 =	vld [tilespmem:$0xB00]  }
0xae: {  	v5 =	vld [tilespmem:$0x1B00];
	_ =	sdelay $0x3  }
0xaf: {  	v4 =	vperm.xlane v4, v0  }
0xb0: {  	v5 =	vperm.xlane v5, v0;
	v44, v45, _ =	vpop (xrf1)  }
0xb1: {  	vm1 =	vle.f32 v44, v4  }
0xb2: {  	v4 =	vsel vm1, v44, v4;
	v5 =	vsel vm1, v45, v5  }
0xb3: {  	(xrf1) =	vsort.ascd.msk.f32 $0xffff, v4, v5;
	_ =	sdelay $0x7  }
0xb4: {  	v4 =	vld [tilespmem:$0xB80]  }
0xb5: {  	v5 =	vld [tilespmem:$0x1B80];
	_ =	sdelay $0x3  }
0xb6: {  	v4 =	vperm.xlane v4, v0  }
0xb7: {  	v5 =	vperm.xlane v5, v0;
	v46, v47, _ =	vpop (xrf1)  }
0xb8: {  	vm1 =	vle.f32 v46, v4  }
0xb9: {  	v4 =	vsel vm1, v46, v4;
	v5 =	vsel vm1, v47, v5  }
0xba: {  	(xrf1) =	vsort.ascd.msk.f32 $0xffff, v4, v5;
	_ =	sdelay $0x7  }
0xbb: {  	v4 =	vld [tilespmem:$0xC00]  }
0xbc: {  	v5 =	vld [tilespmem:$0x1C00];
	_ =	sdelay $0x3  }
0xbd: {  	v4 =	vperm.xlane v4, v0  }
0xbe: {  	v5 =	vperm.xlane v5, v0;
	v48, v49, _ =	vpop (xrf1)  }
0xbf: {  	vm1 =	vle.f32 v48, v4  }
0xc0: {  	v4 =	vsel vm1, v48, v4;
	v5 =	vsel vm1, v49, v5  }
0xc1: {  	(xrf1) =	vsort.ascd.msk.f32 $0xffff, v4, v5;
	_ =	sdelay $0x7  }
0xc2: {  	v4 =	vld [tilespmem:$0xC80]  }
0xc3: {  	v5 =	vld [tilespmem:$0x1C80];
	_ =	sdelay $0x3  }
0xc4: {  	v4 =	vperm.xlane v4, v0  }
0xc5: {  	v5 =	vperm.xlane v5, v0;
	v50, v51, _ =	vpop (xrf1)  }
0xc6: {  	vm1 =	vle.f32 v50, v4  }
0xc7: {  	v4 =	vsel vm1, v50, v4;
	v5 =	vsel vm1, v51, v5  }
0xc8: {  	(xrf1) =	vsort.ascd.msk.f32 $0xffff, v4, v5;
	_ =	sdelay $0x7  }
0xc9: {  	v4 =	vld [tilespmem:$0xD00]  }
0xca: {  	v5 =	vld [tilespmem:$0x1D00];
	_ =	sdelay $0x3  }
0xcb: {  	v4 =	vperm.xlane v4, v0  }
0xcc: {  	v5 =	vperm.xlane v5, v0;
	v52, v53, _ =	vpop (xrf1)  }
0xcd: {  	vm1 =	vle.f32 v52, v4  }
0xce: {  	v4 =	vsel vm1, v52, v4;
	v5 =	vsel vm1, v53, v5  }
0xcf: {  	(xrf1) =	vsort.ascd.msk.f32 $0xffff, v4, v5;
	_ =	sdelay $0x7  }
0xd0: {  	v4 =	vld [tilespmem:$0xD80]  }
0xd1: {  	v5 =	vld [tilespmem:$0x1D80];
	_ =	sdelay $0x3  }
0xd2: {  	v4 =	vperm.xlane v4, v0  }
0xd3: {  	v5 =	vperm.xlane v5, v0;
	v54, v55, _ =	vpop (xrf1)  }
0xd4: {  	vm1 =	vle.f32 v54, v4  }
0xd5: {  	v4 =	vsel vm1, v54, v4;
	v5 =	vsel vm1, v55, v5  }
0xd6: {  	(xrf1) =	vsort.ascd.msk.f32 $0xffff, v4, v5;
	_ =	sdelay $0x7  }
0xd7: {  	v4 =	vld [tilespmem:$0xE00]  }
0xd8: {  	v5 =	vld [tilespmem:$0x1E00];
	_ =	sdelay $0x3  }
0xd9: {  	v4 =	vperm.xlane v4, v0  }
0xda: {  	v5 =	vperm.xlane v5, v0;
	v56, v57, _ =	vpop (xrf1)  }
0xdb: {  	vm1 =	vle.f32 v56, v4  }
0xdc: {  	v4 =	vsel vm1, v56, v4;
	v5 =	vsel vm1, v57, v5  }
0xdd: {  	(xrf1) =	vsort.ascd.msk.f32 $0xffff, v4, v5;
	_ =	sdelay $0x7  }
0xde: {  	v4 =	vld [tilespmem:$0xE80]  }
0xdf: {  	v5 =	vld [tilespmem:$0x1E80];
	_ =	sdelay $0x3  }
0xe0: {  	v4 =	vperm.xlane v4, v0  }
0xe1: {  	v5 =	vperm.xlane v5, v0;
	v58, v59, _ =	vpop (xrf1)  }
0xe2: {  	vm1 =	vle.f32 v58, v4  }
0xe3: {  	v4 =	vsel vm1, v58, v4;
	v5 =	vsel vm1, v59, v5  }
0xe4: {  	(xrf1) =	vsort.ascd.msk.f32 $0xffff, v4, v5;
	_ =	sdelay $0x7  }
0xe5: {  	v4 =	vld [tilespmem:$0xF00]  }
0xe6: {  	v5 =	vld [tilespmem:$0x1F00];
	_ =	sdelay $0x3  }
0xe7: {  	v4 =	vperm.xlane v4, v0  }
0xe8: {  	v5 =	vperm.xlane v5, v0;
	v60, v61, _ =	vpop (xrf1)  }
0xe9: {  	vm1 =	vle.f32 v60, v4  }
0xea: {  	v4 =	vsel vm1, v60, v4;
	v5 =	vsel vm1, v61, v5  }
0xeb: {  	(xrf1) =	vsort.ascd.msk.f32 $0xffff, v4, v5;
	_ =	sdelay $0x7  }
0xec: {  	v4 =	vld [tilespmem:$0xF80]  }
0xed: {  	v5 =	vld [tilespmem:$0x1F80];
	_ =	sdelay $0x3  }
0xee: {  	v4 =	vperm.xlane v4, v0  }
0xef: {  	v5 =	vperm.xlane v5, v0;
	v62, v63, _ =	vpop (xrf1)  }
0xf0: {  	vm1 =	vle.f32 v62, v4  }
0xf1: {  	v4 =	vsel vm1, v62, v4;
	v5 =	vsel vm1, v63, v5  }
0xf2: {  	(xrf1) =	vsort.ascd.msk.f32 $0xffff, v4, v5;
	_ =	sdelay $0xd  }
0xf3: {  	_, v4, _ =	vpop (xrf1)  }
0xf4: {  	[tilespmem:$0x2000] =	vst v4  }
0xf5: {  	[hbm4b:s6+s9] =	stream.linear.scatter [tilespmem:s12], [sflag:$0x2], $0x80, $0x38;
	[tilespmem:$0x4080] =	vst v63  }
0xf6: {  	_ =	swait.ge [sflag:s10], $0x80  }
0xf7: {  	[sflag:s10] =	ssyncset.done $0x0  }
0xf8: {  	[sflag:s10] =	ssyncadd.s32 $0xFFFFFF80  }
0xf9: {  	v4 =	vld [tilespmem:$0x2000];
	_ =	sdelay $0x4  }
0xfa: {  	v5 =	vshll.u32 v4, $0x2  }
0xfb: {  	v4 =	vand.u32 $0x7, v4;
	v5 =	vand.u32 $0xFFFFFFE0, v5  }
0xfc: {  	v4 =	vor.u32 v4, v5  }
0xfd: {  	v5 =	vperm.xlane v4, v1;
	_ =	sdelay $0x1  }
0xfe: {  	v5 =	vadd.s32 v2, v5;
	_ =	sdelay $0x1  }
0xff: {  	v4 =	vperm.xlane v4, v3;
	_ =	sdelay $0x1  }
0x100: {  	v4 =	vadd.s32 v2, v4  }
0x101: {  	[tilespmem:s13], [sflag:$0x1] =	stream.indirect_vreg.gather [hbm4b:s2+s9], $0x80, v5, vm0, $0xb8;
	[tilespmem:$0x4080] =	vst v63  }
0x102: {  	_ = 	snop  }
0x103: {  	[tilespmem:s14], [sflag:$0x1] =	stream.indirect_vreg.gather [hbm4b:s7+s9], $0x80, v5, vm0, $0xb8;
	[tilespmem:$0x4080] =	vst v63  }
0x104: {  	_ = 	snop  }
0x105: {  	[tilespmem:s15], [sflag:$0x1] =	stream.indirect_vreg.gather [hbm4b:s2+s9], $0x80, v4, vm0, $0xb8;
	[tilespmem:$0x4080] =	vst v63  }
0x106: {  	_ = 	snop  }
0x107: {  	[tilespmem:s16], [sflag:$0x1] =	stream.indirect_vreg.gather [hbm4b:s7+s9], $0x80, v4, vm0, $0xb8;
	[tilespmem:$0x4080] =	vst v63  }
0x108: {  	_ =	swait.ge [sflag:s17], $0x2000  }
0x109: {  	p0 =	sne.s32 s8, $0x1;
	[sflag:s17] =	ssyncset.done $0x0  }
.Ltmp1:
0x10a: {  	[sflag:s17] =	ssyncadd.s32 $0xFFFFE000;
	(pc) =	sbr.rel @p0 .LBB2_2-.Ltmp1, $4  }
0x10b: {  	[hbm4b:s5+s9] =	stream.linear.scatter [tilespmem:s13], [sflag:$0x2], $0x2000, $0x38;
	[tilespmem:$0x4080] =	vst v63  }
0x10c: {  	_ =	swait.ge [sflag:s10], $0x2000  }
0x10d: {  	[sflag:s10] =	ssyncset.done $0x0  }
0x10e: {  	s8 =	sadd.s32 $0xFFFFFFFF, s8;
	[sflag:s10] =	ssyncadd.s32 $0xFFFFE000  }
.LBB2_3:
0x10f: {  	_ =	sfence.sel $0x180000  }
0x110: {  	[bflag:$0x0] =	sbarrier.arrive $0xFFFF  }
0x111: {  	p0 =	sne.s32 s0, $0x0;
	_ =	strace $0x9000004A  }
0x112: {  	s0 =	sadd.s32 @!p0 $0x100000, s1;
	[bflag:$0x2] =	sbarrier.arrive $0xFFFF  }
0x113: {  	[sflag:s0] =	ssyncadd.tile.s32 @!p0 $0x1;
	_ =	shalt  }
.Lfunc_end2:
_tile_overlayer_lowered:
.L_overlay_start_2:
0x114: {  	(tag) =	ssettag $0x2  }
0x115: {  	s0 =	rddreg [dreg:$0x0];
	s2 =	stileid.u32  }
0x116: {  	s1 =	rddreg [dreg:$0x1];
	p0 =	sne.s32 s2, $0x0  }
0x117: {  	s3 =	rddreg [dreg:$0x2];
	[bflag:$0x3] =	sbarrier.arrive $0xFFFF;
	s2 =	simm.s32 @!p0 $0x1C02  }
0x118: {  	[timem:s3], [sflag:s2] =	dma.local @!p0 [hbm:s0], s1  }
0x119: {  	s0 =	simm.s32 @!p0 $0x2  }
0x11a: {  	_ =	swait.ge @!p0 [sflag:s0], s1  }
0x11b: {  	s1 =	ssub.s32 @!p0 $0x0, s1;
	[sflag:s0] =	ssyncset.done @!p0 $0x0  }
0x11c: {  	[sflag:s0] =	ssyncadd.s32 @!p0 s1  }
0x11d: {  	[bflag:$0x3] =	sbarrier.arrive $0xFFFF  }
0x11e: {  	_ =	shalt  }

</sc_bundles>
